<compile_context>
chip_gen: v7x
topology: tpu7x:2x2x1
jax: 0.10.2.dev20260603
libtpu: 0.0.44.dev20260713+nightly
codegen_flags: <defaults>
</compile_context>

<pallas_src>
import functools

import jax
import jax.numpy as jnp
from jax import lax
from jax.experimental import pallas as pl
from jax.experimental.pallas import tpu as pltpu
from jax.experimental.pallas import tpu_sc as plsc

B, S, E = 4, 4096, 64
NC, NS, L = 2, 16, 16
NW = NC * NS

B_SC = 2
WPB = NW // B_SC
TOK_W = B_SC * S // NW
CH = 128
NCHUNK = TOK_W // CH

TC_BLK = 1024

LN2 = 0.6931471805599453
_LOG_C = (-7.989150925258315e-07, 1.000008369734779, -0.49982348946499966,
          0.3325308523561251, -0.255229837160223, 0.22039067151266017,
          -0.13766448897270178)


def _log_f32(z):
    bits = plsc.bitcast(z, jnp.int32)
    exp_i = ((bits >> 23) & 0xFF) - 127
    m = plsc.bitcast((bits & 0x007FFFFF) | 0x3F800000, jnp.float32)
    big = m > 1.4142135623730951
    m = jnp.where(big, m * 0.5, m)
    ef = exp_i.astype(jnp.float32) + jnp.where(big, 1.0, 0.0)
    r = m - 1.0
    p = jnp.full((L,), _LOG_C[6], jnp.float32)
    for c in (_LOG_C[5], _LOG_C[4], _LOG_C[3], _LOG_C[2], _LOG_C[1], _LOG_C[0]):
        p = p * r + c
    return ef * LN2 + p


def _sc_body(tg_hbm, sg_hbm, out_hbm, tg_v, sg_v, acc_v, sem_t, sem_s):
    wid = lax.axis_index("s") * NC + lax.axis_index("c")
    b = wid // WPB
    s0 = (wid % WPB) * TOK_W

    def copy_pair(i, start):
        slot = i % 2
        src_t = tg_hbm.at[b, :, pl.ds(s0 + i * CH, CH)]
        src_s = sg_hbm.at[b, :, pl.ds(s0 + i * CH, CH)]
        cp_t = pltpu.make_async_copy(src_t, tg_v.at[slot], sem_t.at[slot])
        cp_s = pltpu.make_async_copy(src_s, sg_v.at[slot], sem_s.at[slot])
        if start:
            cp_t.start()
            cp_s.start()
        else:
            cp_t.wait()
            cp_s.wait()

    copy_pair(0, True)
    if NCHUNK > 1:
        copy_pair(1, True)
    acc = jnp.zeros((L,), jnp.float32)
    for i in range(NCHUNK):
        slot = i % 2
        copy_pair(i, False)
        tg_c = tg_v.at[slot]
        sg_c = sg_v.at[slot]

        def group(g, acc):
            t0 = g * L
            z0 = jnp.zeros((L,), jnp.float32)

            @plsc.parallel_loop(0, E, step=1, unroll=8, carry=(z0, z0, z0))
            def zza(e, carry):
                zt, zs, a = carry
                x = tg_c[e, pl.ds(t0, L)]
                y = sg_c[e, pl.ds(t0, L)]
                u = jnp.exp(x)
                zt = zt + u
                zs = zs + jnp.exp(y)
                a = a + u * (x - y)
                return zt, zs, a

            zt, zs, a = zza
            return acc + a / zt - _log_f32(zt) + _log_f32(zs)

        acc = lax.fori_loop(0, CH // L, group, acc)
        if i + 2 < NCHUNK:
            copy_pair(i + 2, True)

    acc_v[...] = acc
    pltpu.sync_copy(acc_v, out_hbm.at[wid])


_sc_kl = pl.kernel(
    _sc_body,
    out_type=jax.ShapeDtypeStruct((NW, L), jnp.float32),
    mesh=plsc.VectorSubcoreMesh(core_axis_name="c", subcore_axis_name="s"),
    compiler_params=pltpu.CompilerParams(
        needs_layout_passes=False, use_tc_tiling_on_sc=True),
    scratch_types=[
        pltpu.VMEM((2, E, CH), jnp.float32),
        pltpu.VMEM((2, E, CH), jnp.float32),
        pltpu.VMEM((L,), jnp.float32),
        pltpu.SemaphoreType.DMA((2,)),
        pltpu.SemaphoreType.DMA((2,)),
    ],
)


def _tc_body(tg_ref, sg_ref, o_ref):
    x = tg_ref[0]
    y = sg_ref[0]
    u = jnp.exp(x)
    zt = jnp.sum(u, axis=0)
    zs = jnp.sum(jnp.exp(y), axis=0)
    a = jnp.sum(u * (x - y), axis=0)
    kl = jnp.sum(a / zt - jnp.log(zt) + jnp.log(zs))

    @pl.when((pl.program_id(0) == 0) & (pl.program_id(1) == 0))
    def _():
        o_ref[0, 0] = 0.0

    o_ref[0, 0] += kl


_tc_kl = pl.pallas_call(
    _tc_body,
    grid=(B - B_SC, S // TC_BLK),
    in_specs=[
        pl.BlockSpec((1, E, TC_BLK), lambda b, j: (b + B_SC, 0, j)),
        pl.BlockSpec((1, E, TC_BLK), lambda b, j: (b + B_SC, 0, j)),
    ],
    out_specs=pl.BlockSpec(memory_space=pltpu.SMEM),
    out_shape=jax.ShapeDtypeStruct((1, 1), jnp.float32),
)


def _finish_body(p_ref, t_ref, o_ref):
    o_ref[0, 0] = (jnp.sum(p_ref[...]) + t_ref[0, 0]) * (1.0 / B)


_finish = pl.pallas_call(
    _finish_body,
    in_specs=[
        pl.BlockSpec((NW, L), lambda: (0, 0)),
        pl.BlockSpec(memory_space=pltpu.SMEM),
    ],
    out_specs=pl.BlockSpec(memory_space=pltpu.SMEM),
    out_shape=jax.ShapeDtypeStruct((1, 1), jnp.float32),
)


def kernel(teacher_gates, student_gates, teacher_hidden_states,
           student_hidden_states, teacher_model, student_model,
           input_ids, attention_mask):
    tg = jnp.transpose(teacher_gates, (0, 2, 1))
    sg = jnp.transpose(student_gates, (0, 2, 1))
    sc_partials = _sc_kl(tg, sg)
    tc_partial = _tc_kl(tg, sg)
    return _finish(sc_partials, tc_partial)[0, 0]

# --- scband reference (transcript-rebuilt; emitter-appended) ---
"""Pipeline reference for scband-expert-distillation-loss-17102559773158 (READ-ONLY COPY).

The authoritative reference and input builder live on the scoring server;
editing this copy changes nothing except your own understanding.
"""

import jax, jax.numpy as jnp
import numpy as np


def setup_inputs(seed: int = 0) -> dict:
    key = jax.random.key(seed)
    k1, k2, k3, k4 = jax.random.split(key, 4)
    B, S, E, D = 4, 4096, 64, 2048
    return {
        "teacher_gates": jax.random.normal(k1, (B, S, E), dtype=jnp.float32),
        "student_gates": jax.random.normal(k2, (B, S, E), dtype=jnp.float32),
        "teacher_hidden_states": jax.random.normal(k3, (B, S, D), dtype=jnp.float32),
        "student_hidden_states": jax.random.normal(k4, (B, S, D), dtype=jnp.float32),
        "teacher_model": jnp.zeros((1,), dtype=jnp.float32),
        "student_model": jnp.zeros((1,), dtype=jnp.float32),
        "input_ids": jax.random.randint(jax.random.fold_in(key, 5), (B, S), 0, 32000, dtype=jnp.int32),
        "attention_mask": jnp.ones((B, S), dtype=jnp.int32),
    }


def reference(teacher_gates, student_gates, teacher_hidden_states, student_hidden_states, teacher_model, student_model, input_ids, attention_mask):
    # With enable_method_a=False and enable_method_b=False, the module computes
    # the base gate KL loss:
    #   F.kl_div(log_softmax(student_gates, -1), softmax(teacher_gates, -1), reduction='batchmean')
    # which equals sum(t * (log t - log_softmax(s))) / batch_size.
    t = jax.nn.softmax(teacher_gates, axis=-1)
    log_s = jax.nn.log_softmax(student_gates, axis=-1)
    log_t = jnp.log(jnp.clip(t, 1e-12, None))
    kl = jnp.sum(t * (log_t - log_s)) / teacher_gates.shape[0]
    # expert_total_loss (the dict's main gradient-carrying entry)
    return kl

if __name__ == "__main__":
    import jax
    _d = setup_inputs()
    print(jax.jit(kernel)(*tuple(_d.values())))

</pallas_src>

<mosaic_0001>
#map = affine_map<(d0, d1) -> (0, 0, 0)>
#map1 = affine_map<(d0, d1) -> (0, 0)>
module attributes {stable_mosaic.version = 14 : i64} {
  func.func @_sc_body(%arg0: i32, %arg1: i32, %arg2: memref<4x64x4096xf32, #tpu.memory_space<hbm>>, %arg3: memref<4x64x4096xf32, #tpu.memory_space<hbm>>, %arg4: memref<32x16xf32, #tpu.memory_space<hbm>>, %arg5: memref<2x64x128xf32, #tpu.memory_space<vmem>>, %arg6: memref<2x64x128xf32, #tpu.memory_space<vmem>>, %arg7: memref<16xf32, #tpu.memory_space<vmem>>, %arg8: memref<2x!tpu.dma_semaphore, #tpu.memory_space<semaphore_mem>>, %arg9: memref<2x!tpu.dma_semaphore, #tpu.memory_space<semaphore_mem>>) attributes {dimension_semantics = [#tpu.dimension_semantics<core_parallel>, #tpu.dimension_semantics<subcore_parallel>], iteration_bounds = array<i64: 2, 16>, scalar_prefetch = 0 : i64, scratch_operands = 5 : i64, tpu.core_type = #tpu.core_type<sc_vector_subcore>, window_params = [{transform_indices = #map}, {transform_indices = #map}, {transform_indices = #map1}]} {
    %mul3A = arith.constant 2 : i32
    %mul3A_0 = arith.muli %arg1, %mul3A : i32
    %add3A = arith.addi %mul3A_0, %arg0 : i32
    %jit3A = arith.constant 16 : i32
    %div3A = arith.divsi %add3A, %jit3A : i32
    %sign3A = arith.constant 0 : i32
    %sign3A_1 = arith.cmpi sgt, %add3A, %sign3A : i32
    %sign3A_2 = arith.extui %sign3A_1 : i1 to i32
    %sign3A_3 = arith.constant 0 : i32
    %sign3A_4 = arith.cmpi slt, %add3A, %sign3A_3 : i32
    %sign3A_5 = arith.extui %sign3A_4 : i1 to i32
    %sign3A_6 = arith.subi %sign3A_2, %sign3A_5 : i32
    %sign3A_7 = arith.constant 0 : i32
    %sign3A_8 = arith.cmpi sgt, %jit3A, %sign3A_7 : i32
    %sign3A_9 = arith.extui %sign3A_8 : i1 to i32
    %sign3A_10 = arith.constant 0 : i32
    %sign3A_11 = arith.cmpi slt, %jit3A, %sign3A_10 : i32
    %sign3A_12 = arith.extui %sign3A_11 : i1 to i32
    %sign3A_13 = arith.subi %sign3A_9, %sign3A_12 : i32
    %ne3A = arith.cmpi ne, %sign3A_6, %sign3A_13 : i32
    %rem3A = arith.remsi %add3A, %jit3A : i32
    %ne3A_14 = arith.constant 0 : i32
    %ne3A_15 = arith.cmpi ne, %rem3A, %ne3A_14 : i32
    %and3A = arith.andi %ne3A, %ne3A_15 : i1
    %sub3A = arith.constant 1 : i32
    %sub3A_16 = arith.subi %div3A, %sub3A : i32
    %select_n3A = arith.select %and3A, %sub3A_16, %div3A : i32
    %jit3A_17 = arith.constant 16 : i32
    %eq3A = arith.constant 0 : i32
    %eq3A_18 = arith.cmpi eq, %jit3A_17, %eq3A : i32
    %jit3A_19 = arith.constant 1 : i32
    %select_n3A_20 = arith.select %eq3A_18, %jit3A_19, %jit3A_17 : i32
    %rem3A_21 = arith.remsi %add3A, %select_n3A_20 : i32
    %ne3A_22 = arith.constant 0 : i32
    %ne3A_23 = arith.cmpi ne, %rem3A_21, %ne3A_22 : i32
    %lt3A = arith.constant 0 : i32
    %lt3A_24 = arith.cmpi slt, %rem3A_21, %lt3A : i32
    %lt3A_25 = arith.constant 0 : i32
    %lt3A_26 = arith.cmpi slt, %select_n3A_20, %lt3A_25 : i32
    %ne3A_27 = arith.xori %lt3A_24, %lt3A_26 : i1
    %and3A_28 = arith.andi %ne3A_27, %ne3A_23 : i1
    %add3A_29 = arith.addi %rem3A_21, %select_n3A_20 : i32
    %select_n3A_30 = arith.select %and3A_28, %add3A_29, %rem3A_21 : i32
    %mul3A_31 = arith.constant 256 : i32
    %mul3A_32 = arith.muli %select_n3A_30, %mul3A_31 : i32
    %add3A_33 = arith.constant 0 : i32
    %add3A_34 = arith.addi %mul3A_32, %add3A_33 : i32
    %add3A_35 = arith.constant 0 : i32
    %add3A_36 = arith.addi %mul3A_32, %add3A_35 : i32
    %dma_start3A = arith.constant 0 : i32
    %dma_start3A_37 = arith.constant 0 : i32
    %dma_start3A_38 = arith.constant 0 : i32
    %dma_start3A_39 = arith.constant 0 : i32
    %dma_start3A_40 = tpu.memref_slice %arg5[%dma_start3A, %dma_start3A_38, %dma_start3A_39] : memref<2x64x128xf32, #tpu.memory_space<vmem>> -> memref<1x64x128xf32, #tpu.memory_space<vmem>>
    %dma_start3A_41 = tpu.memref_squeeze %dma_start3A_40 : memref<1x64x128xf32, #tpu.memory_space<vmem>> -> memref<64x128xf32, #tpu.memory_space<vmem>>
    %dma_start3A_42 = arith.constant 0 : i32
    %dma_start3A_43 = tpu.memref_slice %arg2[%select_n3A, %dma_start3A_42, %add3A_34] : memref<4x64x4096xf32, #tpu.memory_space<hbm>> -> memref<1x64x128xf32, #tpu.memory_space<hbm>>
    %dma_start3A_44 = tpu.memref_squeeze %dma_start3A_43 : memref<1x64x128xf32, #tpu.memory_space<hbm>> -> memref<64x128xf32, #tpu.memory_space<hbm>>
    %dma_start3A_45 = tpu.memref_slice %arg8[%dma_start3A_37] : memref<2x!tpu.dma_semaphore, #tpu.memory_space<semaphore_mem>> -> memref<1x!tpu.dma_semaphore, #tpu.memory_space<semaphore_mem>>
    %dma_start3A_46 = tpu.memref_squeeze %dma_start3A_45 : memref<1x!tpu.dma_semaphore, #tpu.memory_space<semaphore_mem>> -> memref<!tpu.dma_semaphore, #tpu.memory_space<semaphore_mem>>
    %dma_start3A_47 = arith.constant 0 : i32
    %dma_start3A_48 = arith.constant 0 : i32
    %dma_start3A_49 = tpu.memref_slice %arg5[%dma_start3A, %dma_start3A_47, %dma_start3A_48] : memref<2x64x128xf32, #tpu.memory_space<vmem>> -> memref<1x64x128xf32, #tpu.memory_space<vmem>>
    %dma_start3A_50 = tpu.memref_squeeze %dma_start3A_49 : memref<1x64x128xf32, #tpu.memory_space<vmem>> -> memref<64x128xf32, #tpu.memory_space<vmem>>
    %dma_start3A_51 = arith.constant 0 : i32
    %dma_start3A_52 = tpu.memref_slice %arg2[%select_n3A, %dma_start3A_51, %add3A_34] : memref<4x64x4096xf32, #tpu.memory_space<hbm>> -> memref<1x64x128xf32, #tpu.memory_space<hbm>>
    %dma_start3A_53 = tpu.memref_squeeze %dma_start3A_52 : memref<1x64x128xf32, #tpu.memory_space<hbm>> -> memref<64x128xf32, #tpu.memory_space<hbm>>
    tpu.enqueue_dma source(%dma_start3A_53 : memref<64x128xf32, #tpu.memory_space<hbm>>) target(%dma_start3A_50 : memref<64x128xf32, #tpu.memory_space<vmem>>) target_semaphore(%dma_start3A_46 : memref<!tpu.dma_semaphore, #tpu.memory_space<semaphore_mem>>)
    %dma_start3A_54 = arith.constant 0 : i32
    %dma_start3A_55 = arith.constant 0 : i32
    %dma_start3A_56 = arith.constant 0 : i32
    %dma_start3A_57 = arith.constant 0 : i32
    %dma_start3A_58 = tpu.memref_slice %arg6[%dma_start3A_54, %dma_start3A_56, %dma_start3A_57] : memref<2x64x128xf32, #tpu.memory_space<vmem>> -> memref<1x64x128xf32, #tpu.memory_space<vmem>>
    %dma_start3A_59 = tpu.memref_squeeze %dma_start3A_58 : memref<1x64x128xf32, #tpu.memory_space<vmem>> -> memref<64x128xf32, #tpu.memory_space<vmem>>
    %dma_start3A_60 = arith.constant 0 : i32
    %dma_start3A_61 = tpu.memref_slice %arg3[%select_n3A, %dma_start3A_60, %add3A_36] : memref<4x64x4096xf32, #tpu.memory_space<hbm>> -> memref<1x64x128xf32, #tpu.memory_space<hbm>>
    %dma_start3A_62 = tpu.memref_squeeze %dma_start3A_61 : memref<1x64x128xf32, #tpu.memory_space<hbm>> -> memref<64x128xf32, #tpu.memory_space<hbm>>
    %dma_start3A_63 = tpu.memref_slice %arg9[%dma_start3A_55] : memref<2x!tpu.dma_semaphore, #tpu.memory_space<semaphore_mem>> -> memref<1x!tpu.dma_semaphore, #tpu.memory_space<semaphore_mem>>
    %dma_start3A_64 = tpu.memref_squeeze %dma_start3A_63 : memref<1x!tpu.dma_semaphore, #tpu.memory_space<semaphore_mem>> -> memref<!tpu.dma_semaphore, #tpu.memory_space<semaphore_mem>>
    %dma_start3A_65 = arith.constant 0 : i32
    %dma_start3A_66 = arith.constant 0 : i32
    %dma_start3A_67 = tpu.memref_slice %arg6[%dma_start3A_54, %dma_start3A_65, %dma_start3A_66] : memref<2x64x128xf32, #tpu.memory_space<vmem>> -> memref<1x64x128xf32, #tpu.memory_space<vmem>>
    %dma_start3A_68 = tpu.memref_squeeze %dma_start3A_67 : memref<1x64x128xf32, #tpu.memory_space<vmem>> -> memref<64x128xf32, #tpu.memory_space<vmem>>
    %dma_start3A_69 = arith.constant 0 : i32
    %dma_start3A_70 = tpu.memref_slice %arg3[%select_n3A, %dma_start3A_69, %add3A_36] : memref<4x64x4096xf32, #tpu.memory_space<hbm>> -> memref<1x64x128xf32, #tpu.memory_space<hbm>>
    %dma_start3A_71 = tpu.memref_squeeze %dma_start3A_70 : memref<1x64x128xf32, #tpu.memory_space<hbm>> -> memref<64x128xf32, #tpu.memory_space<hbm>>
    tpu.enqueue_dma source(%dma_start3A_71 : memref<64x128xf32, #tpu.memory_space<hbm>>) target(%dma_start3A_68 : memref<64x128xf32, #tpu.memory_space<vmem>>) target_semaphore(%dma_start3A_64 : memref<!tpu.dma_semaphore, #tpu.memory_space<semaphore_mem>>)
    %add3A_72 = arith.constant 128 : i32
    %add3A_73 = arith.addi %mul3A_32, %add3A_72 : i32
    %add3A_74 = arith.constant 128 : i32
    %add3A_75 = arith.addi %mul3A_32, %add3A_74 : i32
    %dma_start3A_76 = arith.constant 1 : i32
    %dma_start3A_77 = arith.constant 1 : i32
    %dma_start3A_78 = arith.constant 0 : i32
    %dma_start3A_79 = arith.constant 0 : i32
    %dma_start3A_80 = tpu.memref_slice %arg5[%dma_start3A_76, %dma_start3A_78, %dma_start3A_79] : memref<2x64x128xf32, #tpu.memory_space<vmem>> -> memref<1x64x128xf32, #tpu.memory_space<vmem>>
    %dma_start3A_81 = tpu.memref_squeeze %dma_start3A_80 : memref<1x64x128xf32, #tpu.memory_space<vmem>> -> memref<64x128xf32, #tpu.memory_space<vmem>>
    %dma_start3A_82 = arith.constant 0 : i32
    %dma_start3A_83 = tpu.memref_slice %arg2[%select_n3A, %dma_start3A_82, %add3A_73] : memref<4x64x4096xf32, #tpu.memory_space<hbm>> -> memref<1x64x128xf32, #tpu.memory_space<hbm>>
    %dma_start3A_84 = tpu.memref_squeeze %dma_start3A_83 : memref<1x64x128xf32, #tpu.memory_space<hbm>> -> memref<64x128xf32, #tpu.memory_space<hbm>>
    %dma_start3A_85 = tpu.memref_slice %arg8[%dma_start3A_77] : memref<2x!tpu.dma_semaphore, #tpu.memory_space<semaphore_mem>> -> memref<1x!tpu.dma_semaphore, #tpu.memory_space<semaphore_mem>>
    %dma_start3A_86 = tpu.memref_squeeze %dma_start3A_85 : memref<1x!tpu.dma_semaphore, #tpu.memory_space<semaphore_mem>> -> memref<!tpu.dma_semaphore, #tpu.memory_space<semaphore_mem>>
    %dma_start3A_87 = arith.constant 0 : i32
    %dma_start3A_88 = arith.constant 0 : i32
    %dma_start3A_89 = tpu.memref_slice %arg5[%dma_start3A_76, %dma_start3A_87, %dma_start3A_88] : memref<2x64x128xf32, #tpu.memory_space<vmem>> -> memref<1x64x128xf32, #tpu.memory_space<vmem>>
    %dma_start3A_90 = tpu.memref_squeeze %dma_start3A_89 : memref<1x64x128xf32, #tpu.memory_space<vmem>> -> memref<64x128xf32, #tpu.memory_space<vmem>>
    %dma_start3A_91 = arith.constant 0 : i32
    %dma_start3A_92 = tpu.memref_slice %arg2[%select_n3A, %dma_start3A_91, %add3A_73] : memref<4x64x4096xf32, #tpu.memory_space<hbm>> -> memref<1x64x128xf32, #tpu.memory_space<hbm>>
    %dma_start3A_93 = tpu.memref_squeeze %dma_start3A_92 : memref<1x64x128xf32, #tpu.memory_space<hbm>> -> memref<64x128xf32, #tpu.memory_space<hbm>>
    tpu.enqueue_dma source(%dma_start3A_93 : memref<64x128xf32, #tpu.memory_space<hbm>>) target(%dma_start3A_90 : memref<64x128xf32, #tpu.memory_space<vmem>>) target_semaphore(%dma_start3A_86 : memref<!tpu.dma_semaphore, #tpu.memory_space<semaphore_mem>>)
    %dma_start3A_94 = arith.constant 1 : i32
    %dma_start3A_95 = arith.constant 1 : i32
    %dma_start3A_96 = arith.constant 0 : i32
    %dma_start3A_97 = arith.constant 0 : i32
    %dma_start3A_98 = tpu.memref_slice %arg6[%dma_start3A_94, %dma_start3A_96, %dma_start3A_97] : memref<2x64x128xf32, #tpu.memory_space<vmem>> -> memref<1x64x128xf32, #tpu.memory_space<vmem>>
    %dma_start3A_99 = tpu.memref_squeeze %dma_start3A_98 : memref<1x64x128xf32, #tpu.memory_space<vmem>> -> memref<64x128xf32, #tpu.memory_space<vmem>>
    %dma_start3A_100 = arith.constant 0 : i32
    %dma_start3A_101 = tpu.memref_slice %arg3[%select_n3A, %dma_start3A_100, %add3A_75] : memref<4x64x4096xf32, #tpu.memory_space<hbm>> -> memref<1x64x128xf32, #tpu.memory_space<hbm>>
    %dma_start3A_102 = tpu.memref_squeeze %dma_start3A_101 : memref<1x64x128xf32, #tpu.memory_space<hbm>> -> memref<64x128xf32, #tpu.memory_space<hbm>>
    %dma_start3A_103 = tpu.memref_slice %arg9[%dma_start3A_95] : memref<2x!tpu.dma_semaphore, #tpu.memory_space<semaphore_mem>> -> memref<1x!tpu.dma_semaphore, #tpu.memory_space<semaphore_mem>>
    %dma_start3A_104 = tpu.memref_squeeze %dma_start3A_103 : memref<1x!tpu.dma_semaphore, #tpu.memory_space<semaphore_mem>> -> memref<!tpu.dma_semaphore, #tpu.memory_space<semaphore_mem>>
    %dma_start3A_105 = arith.constant 0 : i32
    %dma_start3A_106 = arith.constant 0 : i32
    %dma_start3A_107 = tpu.memref_slice %arg6[%dma_start3A_94, %dma_start3A_105, %dma_start3A_106] : memref<2x64x128xf32, #tpu.memory_space<vmem>> -> memref<1x64x128xf32, #tpu.memory_space<vmem>>
    %dma_start3A_108 = tpu.memref_squeeze %dma_start3A_107 : memref<1x64x128xf32, #tpu.memory_space<vmem>> -> memref<64x128xf32, #tpu.memory_space<vmem>>
    %dma_start3A_109 = arith.constant 0 : i32
    %dma_start3A_110 = tpu.memref_slice %arg3[%select_n3A, %dma_start3A_109, %add3A_75] : memref<4x64x4096xf32, #tpu.memory_space<hbm>> -> memref<1x64x128xf32, #tpu.memory_space<hbm>>
    %dma_start3A_111 = tpu.memref_squeeze %dma_start3A_110 : memref<1x64x128xf32, #tpu.memory_space<hbm>> -> memref<64x128xf32, #tpu.memory_space<hbm>>
    tpu.enqueue_dma source(%dma_start3A_111 : memref<64x128xf32, #tpu.memory_space<hbm>>) target(%dma_start3A_108 : memref<64x128xf32, #tpu.memory_space<vmem>>) target_semaphore(%dma_start3A_104 : memref<!tpu.dma_semaphore, #tpu.memory_space<semaphore_mem>>)
    %broadcast_in_dim3A = arith.constant 0.000000e+00 : f32
    %broadcast_in_dim3A_112 = vector.broadcast %broadcast_in_dim3A : f32 to vector<16xf32>
    %add3A_113 = arith.constant 0 : i32
    %add3A_114 = arith.addi %mul3A_32, %add3A_113 : i32
    %add3A_115 = arith.constant 0 : i32
    %add3A_116 = arith.addi %mul3A_32, %add3A_115 : i32
    %dma_wait3A = arith.constant 0 : i32
    %dma_wait3A_117 = arith.constant 0 : i32
    %dma_wait3A_118 = arith.constant 0 : i32
    %dma_wait3A_119 = arith.constant 0 : i32
    %dma_wait3A_120 = tpu.memref_slice %arg5[%dma_wait3A, %dma_wait3A_118, %dma_wait3A_119] : memref<2x64x128xf32, #tpu.memory_space<vmem>> -> memref<1x64x128xf32, #tpu.memory_space<vmem>>
    %dma_wait3A_121 = tpu.memref_squeeze %dma_wait3A_120 : memref<1x64x128xf32, #tpu.memory_space<vmem>> -> memref<64x128xf32, #tpu.memory_space<vmem>>
    %dma_wait3A_122 = arith.constant 0 : i32
    %dma_wait3A_123 = tpu.memref_slice %arg2[%select_n3A, %dma_wait3A_122, %add3A_114] : memref<4x64x4096xf32, #tpu.memory_space<hbm>> -> memref<1x64x128xf32, #tpu.memory_space<hbm>>
    %dma_wait3A_124 = tpu.memref_squeeze %dma_wait3A_123 : memref<1x64x128xf32, #tpu.memory_space<hbm>> -> memref<64x128xf32, #tpu.memory_space<hbm>>
    %dma_wait3A_125 = tpu.memref_slice %arg8[%dma_wait3A_117] : memref<2x!tpu.dma_semaphore, #tpu.memory_space<semaphore_mem>> -> memref<1x!tpu.dma_semaphore, #tpu.memory_space<semaphore_mem>>
    %dma_wait3A_126 = tpu.memref_squeeze %dma_wait3A_125 : memref<1x!tpu.dma_semaphore, #tpu.memory_space<semaphore_mem>> -> memref<!tpu.dma_semaphore, #tpu.memory_space<semaphore_mem>>
    %dma_wait3A_127 = arith.constant 0 : i32
    %dma_wait3A_128 = arith.constant 0 : i32
    %dma_wait3A_129 = tpu.memref_slice %arg5[%dma_wait3A, %dma_wait3A_127, %dma_wait3A_128] : memref<2x64x128xf32, #tpu.memory_space<vmem>> -> memref<1x64x128xf32, #tpu.memory_space<vmem>>
    %dma_wait3A_130 = tpu.memref_squeeze %dma_wait3A_129 : memref<1x64x128xf32, #tpu.memory_space<vmem>> -> memref<64x128xf32, #tpu.memory_space<vmem>>
    %dma_wait3A_131 = arith.constant 0 : i32
    %dma_wait3A_132 = tpu.memref_slice %arg2[%select_n3A, %dma_wait3A_131, %add3A_114] : memref<4x64x4096xf32, #tpu.memory_space<hbm>> -> memref<1x64x128xf32, #tpu.memory_space<hbm>>
    %dma_wait3A_133 = tpu.memref_squeeze %dma_wait3A_132 : memref<1x64x128xf32, #tpu.memory_space<hbm>> -> memref<64x128xf32, #tpu.memory_space<hbm>>
    tpu.wait_dma2 semaphore(%dma_wait3A_126 : memref<!tpu.dma_semaphore, #tpu.memory_space<semaphore_mem>>) src(%dma_wait3A_133 : memref<64x128xf32, #tpu.memory_space<hbm>>) dst(%dma_wait3A_130 : memref<64x128xf32, #tpu.memory_space<vmem>>)
    %dma_wait3A_134 = arith.constant 0 : i32
    %dma_wait3A_135 = arith.constant 0 : i32
    %dma_wait3A_136 = arith.constant 0 : i32
    %dma_wait3A_137 = arith.constant 0 : i32
    %dma_wait3A_138 = tpu.memref_slice %arg6[%dma_wait3A_134, %dma_wait3A_136, %dma_wait3A_137] : memref<2x64x128xf32, #tpu.memory_space<vmem>> -> memref<1x64x128xf32, #tpu.memory_space<vmem>>
    %dma_wait3A_139 = tpu.memref_squeeze %dma_wait3A_138 : memref<1x64x128xf32, #tpu.memory_space<vmem>> -> memref<64x128xf32, #tpu.memory_space<vmem>>
    %dma_wait3A_140 = arith.constant 0 : i32
    %dma_wait3A_141 = tpu.memref_slice %arg3[%select_n3A, %dma_wait3A_140, %add3A_116] : memref<4x64x4096xf32, #tpu.memory_space<hbm>> -> memref<1x64x128xf32, #tpu.memory_space<hbm>>
    %dma_wait3A_142 = tpu.memref_squeeze %dma_wait3A_141 : memref<1x64x128xf32, #tpu.memory_space<hbm>> -> memref<64x128xf32, #tpu.memory_space<hbm>>
    %dma_wait3A_143 = tpu.memref_slice %arg9[%dma_wait3A_135] : memref<2x!tpu.dma_semaphore, #tpu.memory_space<semaphore_mem>> -> memref<1x!tpu.dma_semaphore, #tpu.memory_space<semaphore_mem>>
    %dma_wait3A_144 = tpu.memref_squeeze %dma_wait3A_143 : memref<1x!tpu.dma_semaphore, #tpu.memory_space<semaphore_mem>> -> memref<!tpu.dma_semaphore, #tpu.memory_space<semaphore_mem>>
    %dma_wait3A_145 = arith.constant 0 : i32
    %dma_wait3A_146 = arith.constant 0 : i32
    %dma_wait3A_147 = tpu.memref_slice %arg6[%dma_wait3A_134, %dma_wait3A_145, %dma_wait3A_146] : memref<2x64x128xf32, #tpu.memory_space<vmem>> -> memref<1x64x128xf32, #tpu.memory_space<vmem>>
    %dma_wait3A_148 = tpu.memref_squeeze %dma_wait3A_147 : memref<1x64x128xf32, #tpu.memory_space<vmem>> -> memref<64x128xf32, #tpu.memory_space<vmem>>
    %dma_wait3A_149 = arith.constant 0 : i32
    %dma_wait3A_150 = tpu.memref_slice %arg3[%select_n3A, %dma_wait3A_149, %add3A_116] : memref<4x64x4096xf32, #tpu.memory_space<hbm>> -> memref<1x64x128xf32, #tpu.memory_space<hbm>>
    %dma_wait3A_151 = tpu.memref_squeeze %dma_wait3A_150 : memref<1x64x128xf32, #tpu.memory_space<hbm>> -> memref<64x128xf32, #tpu.memory_space<hbm>>
    tpu.wait_dma2 semaphore(%dma_wait3A_144 : memref<!tpu.dma_semaphore, #tpu.memory_space<semaphore_mem>>) src(%dma_wait3A_151 : memref<64x128xf32, #tpu.memory_space<hbm>>) dst(%dma_wait3A_148 : memref<64x128xf32, #tpu.memory_space<vmem>>)
    %scan3A = arith.constant 0 : i32
    %scan3A_152 = arith.constant 0 : i32
    %scan3A_153 = arith.constant 0 : i32
    %scan3A_154 = arith.constant 8 : i32
    %scan3A_155 = arith.addi %scan3A_153, %scan3A_154 : i32
    %scan3A_156 = arith.constant 1 : i32
    %scan3A_157 = scf.for %scan3A_208 = %scan3A_153 to %scan3A_155 step %scan3A_156 iter_args(%scan3A_209 = %broadcast_in_dim3A_112) -> (vector<16xf32>)  : i32 {
      %mul3A_210 = arith.constant 16 : i32
      %mul3A_211 = arith.muli %scan3A_208, %mul3A_210 : i32
      %broadcast_in_dim3A_212 = arith.constant 0.000000e+00 : f32
      %broadcast_in_dim3A_213 = vector.broadcast %broadcast_in_dim3A_212 : f32 to vector<16xf32>
      %parallel_loop3A = arith.constant 0 : i32
      %parallel_loop3A_214 = arith.constant 64 : i32
      %parallel_loop3A_215 = arith.constant 1 : i32
      %parallel_loop3A_216:3 = scf.for %parallel_loop3A_344 = %parallel_loop3A to %parallel_loop3A_214 step %parallel_loop3A_215 iter_args(%parallel_loop3A_345 = %broadcast_in_dim3A_213, %parallel_loop3A_346 = %broadcast_in_dim3A_213, %parallel_loop3A_347 = %broadcast_in_dim3A_213) -> (vector<16xf32>, vector<16xf32>, vector<16xf32>)  : i32 {
        %parallel_loop3A_348 = arith.constant 0 : i32
        %parallel_loop3A_349 = arith.constant 0 : i32
        %parallel_loop3A_350 = tpu.memref_slice %arg5[%scan3A, %parallel_loop3A_348, %parallel_loop3A_349] : memref<2x64x128xf32, #tpu.memory_space<vmem>> -> memref<1x64x128xf32, #tpu.memory_space<vmem>>
        %parallel_loop3A_351 = tpu.memref_squeeze %parallel_loop3A_350 : memref<1x64x128xf32, #tpu.memory_space<vmem>> -> memref<64x128xf32, #tpu.memory_space<vmem>>
        %parallel_loop3A_352 = arith.index_cast %parallel_loop3A_344 : i32 to index
        %parallel_loop3A_353 = arith.index_cast %mul3A_211 : i32 to index
        %parallel_loop3A_354 = tpu.vector_load %parallel_loop3A_351[%parallel_loop3A_352, %parallel_loop3A_353] {strides = array<i32>} : memref<64x128xf32, #tpu.memory_space<vmem>>, vector<16xf32>,
        %parallel_loop3A_355 = arith.constant 0 : i32
        %parallel_loop3A_356 = arith.constant 0 : i32
        %parallel_loop3A_357 = tpu.memref_slice %arg6[%scan3A_152, %parallel_loop3A_355, %parallel_loop3A_356] : memref<2x64x128xf32, #tpu.memory_space<vmem>> -> memref<1x64x128xf32, #tpu.memory_space<vmem>>
        %parallel_loop3A_358 = tpu.memref_squeeze %parallel_loop3A_357 : memref<1x64x128xf32, #tpu.memory_space<vmem>> -> memref<64x128xf32, #tpu.memory_space<vmem>>
        %parallel_loop3A_359 = arith.index_cast %parallel_loop3A_344 : i32 to index
        %parallel_loop3A_360 = arith.index_cast %mul3A_211 : i32 to index
        %parallel_loop3A_361 = tpu.vector_load %parallel_loop3A_358[%parallel_loop3A_359, %parallel_loop3A_360] {strides = array<i32>} : memref<64x128xf32, #tpu.memory_space<vmem>>, vector<16xf32>,
        %parallel_loop3A_362 = math.exp %parallel_loop3A_354 : vector<16xf32>
        %parallel_loop3A_363 = arith.addf %parallel_loop3A_345, %parallel_loop3A_362 : vector<16xf32>
        %parallel_loop3A_364 = math.exp %parallel_loop3A_361 : vector<16xf32>
        %parallel_loop3A_365 = arith.addf %parallel_loop3A_346, %parallel_loop3A_364 : vector<16xf32>
        %parallel_loop3A_366 = arith.subf %parallel_loop3A_354, %parallel_loop3A_361 : vector<16xf32>
        %parallel_loop3A_367 = arith.mulf %parallel_loop3A_362, %parallel_loop3A_366 : vector<16xf32>
        %parallel_loop3A_368 = arith.addf %parallel_loop3A_347, %parallel_loop3A_367 : vector<16xf32>
        scf.yield %parallel_loop3A_363, %parallel_loop3A_365, %parallel_loop3A_368 : vector<16xf32>, vector<16xf32>, vector<16xf32>
      } {sc.loop_unroll_factor = 8 : i64, sc.parallel_access}
      %div3A_217 = arith.divf %parallel_loop3A_216#2, %parallel_loop3A_216#0 : vector<16xf32>
      %add3A_218 = arith.addf %scan3A_209, %div3A_217 : vector<16xf32>
      %bitcast3A = vector.bitcast %parallel_loop3A_216#0 : vector<16xf32> to vector<16xi32>
      %shift_right_arithmetic3A = arith.constant 23 : i32
      %shift_right_arithmetic3A_219 = vector.broadcast %shift_right_arithmetic3A : i32 to vector<16xi32>
      %shift_right_arithmetic3A_220 = arith.shrsi %bitcast3A, %shift_right_arithmetic3A_219 : vector<16xi32>
      %and3A_221 = arith.constant 255 : i32
      %and3A_222 = vector.broadcast %and3A_221 : i32 to vector<16xi32>
      %and3A_223 = arith.andi %shift_right_arithmetic3A_220, %and3A_222 : vector<16xi32>
      %sub3A_224 = arith.constant 127 : i32
      %sub3A_225 = vector.broadcast %sub3A_224 : i32 to vector<16xi32>
      %sub3A_226 = arith.subi %and3A_223, %sub3A_225 : vector<16xi32>
      %and3A_227 = arith.constant 8388607 : i32
      %and3A_228 = vector.broadcast %and3A_227 : i32 to vector<16xi32>
      %and3A_229 = arith.andi %bitcast3A, %and3A_228 : vector<16xi32>
      %or3A = arith.constant 1065353216 : i32
      %or3A_230 = vector.broadcast %or3A : i32 to vector<16xi32>
      %or3A_231 = arith.ori %and3A_229, %or3A_230 : vector<16xi32>
      %bitcast3A_232 = vector.bitcast %or3A_231 : vector<16xi32> to vector<16xf32>
      %gt3A = arith.constant 1.41421354 : f32
      %gt3A_233 = vector.broadcast %gt3A : f32 to vector<16xf32>
      %gt3A_234 = arith.cmpf ogt, %bitcast3A_232, %gt3A_233 : vector<16xf32>
      %mul3A_235 = arith.constant 5.000000e-01 : f32
      %mul3A_236 = vector.broadcast %mul3A_235 : f32 to vector<16xf32>
      %mul3A_237 = arith.mulf %bitcast3A_232, %mul3A_236 : vector<16xf32>
      %select_n3A_238 = arith.select %gt3A_234, %mul3A_237, %bitcast3A_232 : vector<16xi1>, vector<16xf32>
      %convert_element_type3A = arith.sitofp %sub3A_226 : vector<16xi32> to vector<16xf32>
      %jit3A_239 = arith.constant 1.000000e+00 : f32
      %jit3A_240 = arith.constant 0.000000e+00 : f32
      %broadcast_in_dim3A_241 = vector.broadcast %jit3A_239 : f32 to vector<16xf32>
      %broadcast_in_dim3A_242 = vector.broadcast %jit3A_240 : f32 to vector<16xf32>
      %select_n3A_243 = arith.select %gt3A_234, %broadcast_in_dim3A_241, %broadcast_in_dim3A_242 : vector<16xi1>, vector<16xf32>
      %add3A_244 = arith.addf %convert_element_type3A, %select_n3A_243 : vector<16xf32>
      %sub3A_245 = arith.constant 1.000000e+00 : f32
      %sub3A_246 = vector.broadcast %sub3A_245 : f32 to vector<16xf32>
      %sub3A_247 = arith.subf %select_n3A_238, %sub3A_246 : vector<16xf32>
      %broadcast_in_dim3A_248 = arith.constant -0.137664482 : f32
      %broadcast_in_dim3A_249 = vector.broadcast %broadcast_in_dim3A_248 : f32 to vector<16xf32>
      %mul3A_250 = arith.mulf %broadcast_in_dim3A_249, %sub3A_247 : vector<16xf32>
      %add3A_251 = arith.constant 0.220390677 : f32
      %add3A_252 = vector.broadcast %add3A_251 : f32 to vector<16xf32>
      %add3A_253 = arith.addf %mul3A_250, %add3A_252 : vector<16xf32>
      %mul3A_254 = arith.mulf %add3A_253, %sub3A_247 : vector<16xf32>
      %add3A_255 = arith.constant -0.255229831 : f32
      %add3A_256 = vector.broadcast %add3A_255 : f32 to vector<16xf32>
      %add3A_257 = arith.addf %mul3A_254, %add3A_256 : vector<16xf32>
      %mul3A_258 = arith.mulf %add3A_257, %sub3A_247 : vector<16xf32>
      %add3A_259 = arith.constant 0.332530856 : f32
      %add3A_260 = vector.broadcast %add3A_259 : f32 to vector<16xf32>
      %add3A_261 = arith.addf %mul3A_258, %add3A_260 : vector<16xf32>
      %mul3A_262 = arith.mulf %add3A_261, %sub3A_247 : vector<16xf32>
      %add3A_263 = arith.constant -0.499823481 : f32
      %add3A_264 = vector.broadcast %add3A_263 : f32 to vector<16xf32>
      %add3A_265 = arith.addf %mul3A_262, %add3A_264 : vector<16xf32>
      %mul3A_266 = arith.mulf %add3A_265, %sub3A_247 : vector<16xf32>
      %add3A_267 = arith.constant 1.00000834 : f32
      %add3A_268 = vector.broadcast %add3A_267 : f32 to vector<16xf32>
      %add3A_269 = arith.addf %mul3A_266, %add3A_268 : vector<16xf32>
      %mul3A_270 = arith.mulf %add3A_269, %sub3A_247 : vector<16xf32>
      %add3A_271 = arith.constant -7.98915096E-7 : f32
      %add3A_272 = vector.broadcast %add3A_271 : f32 to vector<16xf32>
      %add3A_273 = arith.addf %mul3A_270, %add3A_272 : vector<16xf32>
      %mul3A_274 = arith.constant 0.693147182 : f32
      %mul3A_275 = vector.broadcast %mul3A_274 : f32 to vector<16xf32>
      %mul3A_276 = arith.mulf %add3A_244, %mul3A_275 : vector<16xf32>
      %add3A_277 = arith.addf %mul3A_276, %add3A_273 : vector<16xf32>
      %sub3A_278 = arith.subf %add3A_218, %add3A_277 : vector<16xf32>
      %bitcast3A_279 = vector.bitcast %parallel_loop3A_216#1 : vector<16xf32> to vector<16xi32>
      %shift_right_arithmetic3A_280 = arith.constant 23 : i32
      %shift_right_arithmetic3A_281 = vector.broadcast %shift_right_arithmetic3A_280 : i32 to vector<16xi32>
      %shift_right_arithmetic3A_282 = arith.shrsi %bitcast3A_279, %shift_right_arithmetic3A_281 : vector<16xi32>
      %and3A_283 = arith.constant 255 : i32
      %and3A_284 = vector.broadcast %and3A_283 : i32 to vector<16xi32>
      %and3A_285 = arith.andi %shift_right_arithmetic3A_282, %and3A_284 : vector<16xi32>
      %sub3A_286 = arith.constant 127 : i32
      %sub3A_287 = vector.broadcast %sub3A_286 : i32 to vector<16xi32>
      %sub3A_288 = arith.subi %and3A_285, %sub3A_287 : vector<16xi32>
      %and3A_289 = arith.constant 8388607 : i32
      %and3A_290 = vector.broadcast %and3A_289 : i32 to vector<16xi32>
      %and3A_291 = arith.andi %bitcast3A_279, %and3A_290 : vector<16xi32>
      %or3A_292 = arith.constant 1065353216 : i32
      %or3A_293 = vector.broadcast %or3A_292 : i32 to vector<16xi32>
      %or3A_294 = arith.ori %and3A_291, %or3A_293 : vector<16xi32>
      %bitcast3A_295 = vector.bitcast %or3A_294 : vector<16xi32> to vector<16xf32>
      %gt3A_296 = arith.constant 1.41421354 : f32
      %gt3A_297 = vector.broadcast %gt3A_296 : f32 to vector<16xf32>
      %gt3A_298 = arith.cmpf ogt, %bitcast3A_295, %gt3A_297 : vector<16xf32>
      %mul3A_299 = arith.constant 5.000000e-01 : f32
      %mul3A_300 = vector.broadcast %mul3A_299 : f32 to vector<16xf32>
      %mul3A_301 = arith.mulf %bitcast3A_295, %mul3A_300 : vector<16xf32>
      %select_n3A_302 = arith.select %gt3A_298, %mul3A_301, %bitcast3A_295 : vector<16xi1>, vector<16xf32>
      %convert_element_type3A_303 = arith.sitofp %sub3A_288 : vector<16xi32> to vector<16xf32>
      %jit3A_304 = arith.constant 1.000000e+00 : f32
      %jit3A_305 = arith.constant 0.000000e+00 : f32
      %broadcast_in_dim3A_306 = vector.broadcast %jit3A_304 : f32 to vector<16xf32>
      %broadcast_in_dim3A_307 = vector.broadcast %jit3A_305 : f32 to vector<16xf32>
      %select_n3A_308 = arith.select %gt3A_298, %broadcast_in_dim3A_306, %broadcast_in_dim3A_307 : vector<16xi1>, vector<16xf32>
      %add3A_309 = arith.addf %convert_element_type3A_303, %select_n3A_308 : vector<16xf32>
      %sub3A_310 = arith.constant 1.000000e+00 : f32
      %sub3A_311 = vector.broadcast %sub3A_310 : f32 to vector<16xf32>
      %sub3A_312 = arith.subf %select_n3A_302, %sub3A_311 : vector<16xf32>
      %broadcast_in_dim3A_313 = arith.constant -0.137664482 : f32
      %broadcast_in_dim3A_314 = vector.broadcast %broadcast_in_dim3A_313 : f32 to vector<16xf32>
      %mul3A_315 = arith.mulf %broadcast_in_dim3A_314, %sub3A_312 : vector<16xf32>
      %add3A_316 = arith.constant 0.220390677 : f32
      %add3A_317 = vector.broadcast %add3A_316 : f32 to vector<16xf32>
      %add3A_318 = arith.addf %mul3A_315, %add3A_317 : vector<16xf32>
      %mul3A_319 = arith.mulf %add3A_318, %sub3A_312 : vector<16xf32>
      %add3A_320 = arith.constant -0.255229831 : f32
      %add3A_321 = vector.broadcast %add3A_320 : f32 to vector<16xf32>
      %add3A_322 = arith.addf %mul3A_319, %add3A_321 : vector<16xf32>
      %mul3A_323 = arith.mulf %add3A_322, %sub3A_312 : vector<16xf32>
      %add3A_324 = arith.constant 0.332530856 : f32
      %add3A_325 = vector.broadcast %add3A_324 : f32 to vector<16xf32>
      %add3A_326 = arith.addf %mul3A_323, %add3A_325 : vector<16xf32>
      %mul3A_327 = arith.mulf %add3A_326, %sub3A_312 : vector<16xf32>
      %add3A_328 = arith.constant -0.499823481 : f32
      %add3A_329 = vector.broadcast %add3A_328 : f32 to vector<16xf32>
      %add3A_330 = arith.addf %mul3A_327, %add3A_329 : vector<16xf32>
      %mul3A_331 = arith.mulf %add3A_330, %sub3A_312 : vector<16xf32>
      %add3A_332 = arith.constant 1.00000834 : f32
      %add3A_333 = vector.broadcast %add3A_332 : f32 to vector<16xf32>
      %add3A_334 = arith.addf %mul3A_331, %add3A_333 : vector<16xf32>
      %mul3A_335 = arith.mulf %add3A_334, %sub3A_312 : vector<16xf32>
      %add3A_336 = arith.constant -7.98915096E-7 : f32
      %add3A_337 = vector.broadcast %add3A_336 : f32 to vector<16xf32>
      %add3A_338 = arith.addf %mul3A_335, %add3A_337 : vector<16xf32>
      %mul3A_339 = arith.constant 0.693147182 : f32
      %mul3A_340 = vector.broadcast %mul3A_339 : f32 to vector<16xf32>
      %mul3A_341 = arith.mulf %add3A_309, %mul3A_340 : vector<16xf32>
      %add3A_342 = arith.addf %mul3A_341, %add3A_338 : vector<16xf32>
      %add3A_343 = arith.addf %sub3A_278, %add3A_342 : vector<16xf32>
      scf.yield %add3A_343 : vector<16xf32>
    }
    %scan3A_158 = arith.constant 8 : i32
    %add3A_159 = arith.constant 128 : i32
    %add3A_160 = arith.addi %mul3A_32, %add3A_159 : i32
    %add3A_161 = arith.constant 128 : i32
    %add3A_162 = arith.addi %mul3A_32, %add3A_161 : i32
    %dma_wait3A_163 = arith.constant 1 : i32
    %dma_wait3A_164 = arith.constant 1 : i32
    %dma_wait3A_165 = arith.constant 0 : i32
    %dma_wait3A_166 = arith.constant 0 : i32
    %dma_wait3A_167 = tpu.memref_slice %arg5[%dma_wait3A_163, %dma_wait3A_165, %dma_wait3A_166] : memref<2x64x128xf32, #tpu.memory_space<vmem>> -> memref<1x64x128xf32, #tpu.memory_space<vmem>>
    %dma_wait3A_168 = tpu.memref_squeeze %dma_wait3A_167 : memref<1x64x128xf32, #tpu.memory_space<vmem>> -> memref<64x128xf32, #tpu.memory_space<vmem>>
    %dma_wait3A_169 = arith.constant 0 : i32
    %dma_wait3A_170 = tpu.memref_slice %arg2[%select_n3A, %dma_wait3A_169, %add3A_160] : memref<4x64x4096xf32, #tpu.memory_space<hbm>> -> memref<1x64x128xf32, #tpu.memory_space<hbm>>
    %dma_wait3A_171 = tpu.memref_squeeze %dma_wait3A_170 : memref<1x64x128xf32, #tpu.memory_space<hbm>> -> memref<64x128xf32, #tpu.memory_space<hbm>>
    %dma_wait3A_172 = tpu.memref_slice %arg8[%dma_wait3A_164] : memref<2x!tpu.dma_semaphore, #tpu.memory_space<semaphore_mem>> -> memref<1x!tpu.dma_semaphore, #tpu.memory_space<semaphore_mem>>
    %dma_wait3A_173 = tpu.memref_squeeze %dma_wait3A_172 : memref<1x!tpu.dma_semaphore, #tpu.memory_space<semaphore_mem>> -> memref<!tpu.dma_semaphore, #tpu.memory_space<semaphore_mem>>
    %dma_wait3A_174 = arith.constant 0 : i32
    %dma_wait3A_175 = arith.constant 0 : i32
    %dma_wait3A_176 = tpu.memref_slice %arg5[%dma_wait3A_163, %dma_wait3A_174, %dma_wait3A_175] : memref<2x64x128xf32, #tpu.memory_space<vmem>> -> memref<1x64x128xf32, #tpu.memory_space<vmem>>
    %dma_wait3A_177 = tpu.memref_squeeze %dma_wait3A_176 : memref<1x64x128xf32, #tpu.memory_space<vmem>> -> memref<64x128xf32, #tpu.memory_space<vmem>>
    %dma_wait3A_178 = arith.constant 0 : i32
    %dma_wait3A_179 = tpu.memref_slice %arg2[%select_n3A, %dma_wait3A_178, %add3A_160] : memref<4x64x4096xf32, #tpu.memory_space<hbm>> -> memref<1x64x128xf32, #tpu.memory_space<hbm>>
    %dma_wait3A_180 = tpu.memref_squeeze %dma_wait3A_179 : memref<1x64x128xf32, #tpu.memory_space<hbm>> -> memref<64x128xf32, #tpu.memory_space<hbm>>
    tpu.wait_dma2 semaphore(%dma_wait3A_173 : memref<!tpu.dma_semaphore, #tpu.memory_space<semaphore_mem>>) src(%dma_wait3A_180 : memref<64x128xf32, #tpu.memory_space<hbm>>) dst(%dma_wait3A_177 : memref<64x128xf32, #tpu.memory_space<vmem>>)
    %dma_wait3A_181 = arith.constant 1 : i32
    %dma_wait3A_182 = arith.constant 1 : i32
    %dma_wait3A_183 = arith.constant 0 : i32
    %dma_wait3A_184 = arith.constant 0 : i32
    %dma_wait3A_185 = tpu.memref_slice %arg6[%dma_wait3A_181, %dma_wait3A_183, %dma_wait3A_184] : memref<2x64x128xf32, #tpu.memory_space<vmem>> -> memref<1x64x128xf32, #tpu.memory_space<vmem>>
    %dma_wait3A_186 = tpu.memref_squeeze %dma_wait3A_185 : memref<1x64x128xf32, #tpu.memory_space<vmem>> -> memref<64x128xf32, #tpu.memory_space<vmem>>
    %dma_wait3A_187 = arith.constant 0 : i32
    %dma_wait3A_188 = tpu.memref_slice %arg3[%select_n3A, %dma_wait3A_187, %add3A_162] : memref<4x64x4096xf32, #tpu.memory_space<hbm>> -> memref<1x64x128xf32, #tpu.memory_space<hbm>>
    %dma_wait3A_189 = tpu.memref_squeeze %dma_wait3A_188 : memref<1x64x128xf32, #tpu.memory_space<hbm>> -> memref<64x128xf32, #tpu.memory_space<hbm>>
    %dma_wait3A_190 = tpu.memref_slice %arg9[%dma_wait3A_182] : memref<2x!tpu.dma_semaphore, #tpu.memory_space<semaphore_mem>> -> memref<1x!tpu.dma_semaphore, #tpu.memory_space<semaphore_mem>>
    %dma_wait3A_191 = tpu.memref_squeeze %dma_wait3A_190 : memref<1x!tpu.dma_semaphore, #tpu.memory_space<semaphore_mem>> -> memref<!tpu.dma_semaphore, #tpu.memory_space<semaphore_mem>>
    %dma_wait3A_192 = arith.constant 0 : i32
    %dma_wait3A_193 = arith.constant 0 : i32
    %dma_wait3A_194 = tpu.memref_slice %arg6[%dma_wait3A_181, %dma_wait3A_192, %dma_wait3A_193] : memref<2x64x128xf32, #tpu.memory_space<vmem>> -> memref<1x64x128xf32, #tpu.memory_space<vmem>>
    %dma_wait3A_195 = tpu.memref_squeeze %dma_wait3A_194 : memref<1x64x128xf32, #tpu.memory_space<vmem>> -> memref<64x128xf32, #tpu.memory_space<vmem>>
    %dma_wait3A_196 = arith.constant 0 : i32
    %dma_wait3A_197 = tpu.memref_slice %arg3[%select_n3A, %dma_wait3A_196, %add3A_162] : memref<4x64x4096xf32, #tpu.memory_space<hbm>> -> memref<1x64x128xf32, #tpu.memory_space<hbm>>
    %dma_wait3A_198 = tpu.memref_squeeze %dma_wait3A_197 : memref<1x64x128xf32, #tpu.memory_space<hbm>> -> memref<64x128xf32, #tpu.memory_space<hbm>>
    tpu.wait_dma2 semaphore(%dma_wait3A_191 : memref<!tpu.dma_semaphore, #tpu.memory_space<semaphore_mem>>) src(%dma_wait3A_198 : memref<64x128xf32, #tpu.memory_space<hbm>>) dst(%dma_wait3A_195 : memref<64x128xf32, #tpu.memory_space<vmem>>)
    %scan3A_199 = arith.constant 1 : i32
    %scan3A_200 = arith.constant 1 : i32
    %scan3A_201 = arith.constant 0 : i32
    %scan3A_202 = arith.constant 8 : i32
    %scan3A_203 = arith.addi %scan3A_201, %scan3A_202 : i32
    %scan3A_204 = arith.constant 1 : i32
    %scan3A_205 = scf.for %scan3A_208 = %scan3A_201 to %scan3A_203 step %scan3A_204 iter_args(%scan3A_209 = %scan3A_157) -> (vector<16xf32>)  : i32 {
      %mul3A_210 = arith.constant 16 : i32
      %mul3A_211 = arith.muli %scan3A_208, %mul3A_210 : i32
      %broadcast_in_dim3A_212 = arith.constant 0.000000e+00 : f32
      %broadcast_in_dim3A_213 = vector.broadcast %broadcast_in_dim3A_212 : f32 to vector<16xf32>
      %parallel_loop3A = arith.constant 0 : i32
      %parallel_loop3A_214 = arith.constant 64 : i32
      %parallel_loop3A_215 = arith.constant 1 : i32
      %parallel_loop3A_216:3 = scf.for %parallel_loop3A_344 = %parallel_loop3A to %parallel_loop3A_214 step %parallel_loop3A_215 iter_args(%parallel_loop3A_345 = %broadcast_in_dim3A_213, %parallel_loop3A_346 = %broadcast_in_dim3A_213, %parallel_loop3A_347 = %broadcast_in_dim3A_213) -> (vector<16xf32>, vector<16xf32>, vector<16xf32>)  : i32 {
        %parallel_loop3A_348 = arith.constant 0 : i32
        %parallel_loop3A_349 = arith.constant 0 : i32
        %parallel_loop3A_350 = tpu.memref_slice %arg5[%scan3A_199, %parallel_loop3A_348, %parallel_loop3A_349] : memref<2x64x128xf32, #tpu.memory_space<vmem>> -> memref<1x64x128xf32, #tpu.memory_space<vmem>>
        %parallel_loop3A_351 = tpu.memref_squeeze %parallel_loop3A_350 : memref<1x64x128xf32, #tpu.memory_space<vmem>> -> memref<64x128xf32, #tpu.memory_space<vmem>>
        %parallel_loop3A_352 = arith.index_cast %parallel_loop3A_344 : i32 to index
        %parallel_loop3A_353 = arith.index_cast %mul3A_211 : i32 to index
        %parallel_loop3A_354 = tpu.vector_load %parallel_loop3A_351[%parallel_loop3A_352, %parallel_loop3A_353] {strides = array<i32>} : memref<64x128xf32, #tpu.memory_space<vmem>>, vector<16xf32>,
        %parallel_loop3A_355 = arith.constant 0 : i32
        %parallel_loop3A_356 = arith.constant 0 : i32
        %parallel_loop3A_357 = tpu.memref_slice %arg6[%scan3A_200, %parallel_loop3A_355, %parallel_loop3A_356] : memref<2x64x128xf32, #tpu.memory_space<vmem>> -> memref<1x64x128xf32, #tpu.memory_space<vmem>>
        %parallel_loop3A_358 = tpu.memref_squeeze %parallel_loop3A_357 : memref<1x64x128xf32, #tpu.memory_space<vmem>> -> memref<64x128xf32, #tpu.memory_space<vmem>>
        %parallel_loop3A_359 = arith.index_cast %parallel_loop3A_344 : i32 to index
        %parallel_loop3A_360 = arith.index_cast %mul3A_211 : i32 to index
        %parallel_loop3A_361 = tpu.vector_load %parallel_loop3A_358[%parallel_loop3A_359, %parallel_loop3A_360] {strides = array<i32>} : memref<64x128xf32, #tpu.memory_space<vmem>>, vector<16xf32>,
        %parallel_loop3A_362 = math.exp %parallel_loop3A_354 : vector<16xf32>
        %parallel_loop3A_363 = arith.addf %parallel_loop3A_345, %parallel_loop3A_362 : vector<16xf32>
        %parallel_loop3A_364 = math.exp %parallel_loop3A_361 : vector<16xf32>
        %parallel_loop3A_365 = arith.addf %parallel_loop3A_346, %parallel_loop3A_364 : vector<16xf32>
        %parallel_loop3A_366 = arith.subf %parallel_loop3A_354, %parallel_loop3A_361 : vector<16xf32>
        %parallel_loop3A_367 = arith.mulf %parallel_loop3A_362, %parallel_loop3A_366 : vector<16xf32>
        %parallel_loop3A_368 = arith.addf %parallel_loop3A_347, %parallel_loop3A_367 : vector<16xf32>
        scf.yield %parallel_loop3A_363, %parallel_loop3A_365, %parallel_loop3A_368 : vector<16xf32>, vector<16xf32>, vector<16xf32>
      } {sc.loop_unroll_factor = 8 : i64, sc.parallel_access}
      %div3A_217 = arith.divf %parallel_loop3A_216#2, %parallel_loop3A_216#0 : vector<16xf32>
      %add3A_218 = arith.addf %scan3A_209, %div3A_217 : vector<16xf32>
      %bitcast3A = vector.bitcast %parallel_loop3A_216#0 : vector<16xf32> to vector<16xi32>
      %shift_right_arithmetic3A = arith.constant 23 : i32
      %shift_right_arithmetic3A_219 = vector.broadcast %shift_right_arithmetic3A : i32 to vector<16xi32>
      %shift_right_arithmetic3A_220 = arith.shrsi %bitcast3A, %shift_right_arithmetic3A_219 : vector<16xi32>
      %and3A_221 = arith.constant 255 : i32
      %and3A_222 = vector.broadcast %and3A_221 : i32 to vector<16xi32>
      %and3A_223 = arith.andi %shift_right_arithmetic3A_220, %and3A_222 : vector<16xi32>
      %sub3A_224 = arith.constant 127 : i32
      %sub3A_225 = vector.broadcast %sub3A_224 : i32 to vector<16xi32>
      %sub3A_226 = arith.subi %and3A_223, %sub3A_225 : vector<16xi32>
      %and3A_227 = arith.constant 8388607 : i32
      %and3A_228 = vector.broadcast %and3A_227 : i32 to vector<16xi32>
      %and3A_229 = arith.andi %bitcast3A, %and3A_228 : vector<16xi32>
      %or3A = arith.constant 1065353216 : i32
      %or3A_230 = vector.broadcast %or3A : i32 to vector<16xi32>
      %or3A_231 = arith.ori %and3A_229, %or3A_230 : vector<16xi32>
      %bitcast3A_232 = vector.bitcast %or3A_231 : vector<16xi32> to vector<16xf32>
      %gt3A = arith.constant 1.41421354 : f32
      %gt3A_233 = vector.broadcast %gt3A : f32 to vector<16xf32>
      %gt3A_234 = arith.cmpf ogt, %bitcast3A_232, %gt3A_233 : vector<16xf32>
      %mul3A_235 = arith.constant 5.000000e-01 : f32
      %mul3A_236 = vector.broadcast %mul3A_235 : f32 to vector<16xf32>
      %mul3A_237 = arith.mulf %bitcast3A_232, %mul3A_236 : vector<16xf32>
      %select_n3A_238 = arith.select %gt3A_234, %mul3A_237, %bitcast3A_232 : vector<16xi1>, vector<16xf32>
      %convert_element_type3A = arith.sitofp %sub3A_226 : vector<16xi32> to vector<16xf32>
      %jit3A_239 = arith.constant 1.000000e+00 : f32
      %jit3A_240 = arith.constant 0.000000e+00 : f32
      %broadcast_in_dim3A_241 = vector.broadcast %jit3A_239 : f32 to vector<16xf32>
      %broadcast_in_dim3A_242 = vector.broadcast %jit3A_240 : f32 to vector<16xf32>
      %select_n3A_243 = arith.select %gt3A_234, %broadcast_in_dim3A_241, %broadcast_in_dim3A_242 : vector<16xi1>, vector<16xf32>
      %add3A_244 = arith.addf %convert_element_type3A, %select_n3A_243 : vector<16xf32>
      %sub3A_245 = arith.constant 1.000000e+00 : f32
      %sub3A_246 = vector.broadcast %sub3A_245 : f32 to vector<16xf32>
      %sub3A_247 = arith.subf %select_n3A_238, %sub3A_246 : vector<16xf32>
      %broadcast_in_dim3A_248 = arith.constant -0.137664482 : f32
      %broadcast_in_dim3A_249 = vector.broadcast %broadcast_in_dim3A_248 : f32 to vector<16xf32>
      %mul3A_250 = arith.mulf %broadcast_in_dim3A_249, %sub3A_247 : vector<16xf32>
      %add3A_251 = arith.constant 0.220390677 : f32
      %add3A_252 = vector.broadcast %add3A_251 : f32 to vector<16xf32>
      %add3A_253 = arith.addf %mul3A_250, %add3A_252 : vector<16xf32>
      %mul3A_254 = arith.mulf %add3A_253, %sub3A_247 : vector<16xf32>
      %add3A_255 = arith.constant -0.255229831 : f32
      %add3A_256 = vector.broadcast %add3A_255 : f32 to vector<16xf32>
      %add3A_257 = arith.addf %mul3A_254, %add3A_256 : vector<16xf32>
      %mul3A_258 = arith.mulf %add3A_257, %sub3A_247 : vector<16xf32>
      %add3A_259 = arith.constant 0.332530856 : f32
      %add3A_260 = vector.broadcast %add3A_259 : f32 to vector<16xf32>
      %add3A_261 = arith.addf %mul3A_258, %add3A_260 : vector<16xf32>
      %mul3A_262 = arith.mulf %add3A_261, %sub3A_247 : vector<16xf32>
      %add3A_263 = arith.constant -0.499823481 : f32
      %add3A_264 = vector.broadcast %add3A_263 : f32 to vector<16xf32>
      %add3A_265 = arith.addf %mul3A_262, %add3A_264 : vector<16xf32>
      %mul3A_266 = arith.mulf %add3A_265, %sub3A_247 : vector<16xf32>
      %add3A_267 = arith.constant 1.00000834 : f32
      %add3A_268 = vector.broadcast %add3A_267 : f32 to vector<16xf32>
      %add3A_269 = arith.addf %mul3A_266, %add3A_268 : vector<16xf32>
      %mul3A_270 = arith.mulf %add3A_269, %sub3A_247 : vector<16xf32>
      %add3A_271 = arith.constant -7.98915096E-7 : f32
      %add3A_272 = vector.broadcast %add3A_271 : f32 to vector<16xf32>
      %add3A_273 = arith.addf %mul3A_270, %add3A_272 : vector<16xf32>
      %mul3A_274 = arith.constant 0.693147182 : f32
      %mul3A_275 = vector.broadcast %mul3A_274 : f32 to vector<16xf32>
      %mul3A_276 = arith.mulf %add3A_244, %mul3A_275 : vector<16xf32>
      %add3A_277 = arith.addf %mul3A_276, %add3A_273 : vector<16xf32>
      %sub3A_278 = arith.subf %add3A_218, %add3A_277 : vector<16xf32>
      %bitcast3A_279 = vector.bitcast %parallel_loop3A_216#1 : vector<16xf32> to vector<16xi32>
      %shift_right_arithmetic3A_280 = arith.constant 23 : i32
      %shift_right_arithmetic3A_281 = vector.broadcast %shift_right_arithmetic3A_280 : i32 to vector<16xi32>
      %shift_right_arithmetic3A_282 = arith.shrsi %bitcast3A_279, %shift_right_arithmetic3A_281 : vector<16xi32>
      %and3A_283 = arith.constant 255 : i32
      %and3A_284 = vector.broadcast %and3A_283 : i32 to vector<16xi32>
      %and3A_285 = arith.andi %shift_right_arithmetic3A_282, %and3A_284 : vector<16xi32>
      %sub3A_286 = arith.constant 127 : i32
      %sub3A_287 = vector.broadcast %sub3A_286 : i32 to vector<16xi32>
      %sub3A_288 = arith.subi %and3A_285, %sub3A_287 : vector<16xi32>
      %and3A_289 = arith.constant 8388607 : i32
      %and3A_290 = vector.broadcast %and3A_289 : i32 to vector<16xi32>
      %and3A_291 = arith.andi %bitcast3A_279, %and3A_290 : vector<16xi32>
      %or3A_292 = arith.constant 1065353216 : i32
      %or3A_293 = vector.broadcast %or3A_292 : i32 to vector<16xi32>
      %or3A_294 = arith.ori %and3A_291, %or3A_293 : vector<16xi32>
      %bitcast3A_295 = vector.bitcast %or3A_294 : vector<16xi32> to vector<16xf32>
      %gt3A_296 = arith.constant 1.41421354 : f32
      %gt3A_297 = vector.broadcast %gt3A_296 : f32 to vector<16xf32>
      %gt3A_298 = arith.cmpf ogt, %bitcast3A_295, %gt3A_297 : vector<16xf32>
      %mul3A_299 = arith.constant 5.000000e-01 : f32
      %mul3A_300 = vector.broadcast %mul3A_299 : f32 to vector<16xf32>
      %mul3A_301 = arith.mulf %bitcast3A_295, %mul3A_300 : vector<16xf32>
      %select_n3A_302 = arith.select %gt3A_298, %mul3A_301, %bitcast3A_295 : vector<16xi1>, vector<16xf32>
      %convert_element_type3A_303 = arith.sitofp %sub3A_288 : vector<16xi32> to vector<16xf32>
      %jit3A_304 = arith.constant 1.000000e+00 : f32
      %jit3A_305 = arith.constant 0.000000e+00 : f32
      %broadcast_in_dim3A_306 = vector.broadcast %jit3A_304 : f32 to vector<16xf32>
      %broadcast_in_dim3A_307 = vector.broadcast %jit3A_305 : f32 to vector<16xf32>
      %select_n3A_308 = arith.select %gt3A_298, %broadcast_in_dim3A_306, %broadcast_in_dim3A_307 : vector<16xi1>, vector<16xf32>
      %add3A_309 = arith.addf %convert_element_type3A_303, %select_n3A_308 : vector<16xf32>
      %sub3A_310 = arith.constant 1.000000e+00 : f32
      %sub3A_311 = vector.broadcast %sub3A_310 : f32 to vector<16xf32>
      %sub3A_312 = arith.subf %select_n3A_302, %sub3A_311 : vector<16xf32>
      %broadcast_in_dim3A_313 = arith.constant -0.137664482 : f32
      %broadcast_in_dim3A_314 = vector.broadcast %broadcast_in_dim3A_313 : f32 to vector<16xf32>
      %mul3A_315 = arith.mulf %broadcast_in_dim3A_314, %sub3A_312 : vector<16xf32>
      %add3A_316 = arith.constant 0.220390677 : f32
      %add3A_317 = vector.broadcast %add3A_316 : f32 to vector<16xf32>
      %add3A_318 = arith.addf %mul3A_315, %add3A_317 : vector<16xf32>
      %mul3A_319 = arith.mulf %add3A_318, %sub3A_312 : vector<16xf32>
      %add3A_320 = arith.constant -0.255229831 : f32
      %add3A_321 = vector.broadcast %add3A_320 : f32 to vector<16xf32>
      %add3A_322 = arith.addf %mul3A_319, %add3A_321 : vector<16xf32>
      %mul3A_323 = arith.mulf %add3A_322, %sub3A_312 : vector<16xf32>
      %add3A_324 = arith.constant 0.332530856 : f32
      %add3A_325 = vector.broadcast %add3A_324 : f32 to vector<16xf32>
      %add3A_326 = arith.addf %mul3A_323, %add3A_325 : vector<16xf32>
      %mul3A_327 = arith.mulf %add3A_326, %sub3A_312 : vector<16xf32>
      %add3A_328 = arith.constant -0.499823481 : f32
      %add3A_329 = vector.broadcast %add3A_328 : f32 to vector<16xf32>
      %add3A_330 = arith.addf %mul3A_327, %add3A_329 : vector<16xf32>
      %mul3A_331 = arith.mulf %add3A_330, %sub3A_312 : vector<16xf32>
      %add3A_332 = arith.constant 1.00000834 : f32
      %add3A_333 = vector.broadcast %add3A_332 : f32 to vector<16xf32>
      %add3A_334 = arith.addf %mul3A_331, %add3A_333 : vector<16xf32>
      %mul3A_335 = arith.mulf %add3A_334, %sub3A_312 : vector<16xf32>
      %add3A_336 = arith.constant -7.98915096E-7 : f32
      %add3A_337 = vector.broadcast %add3A_336 : f32 to vector<16xf32>
      %add3A_338 = arith.addf %mul3A_335, %add3A_337 : vector<16xf32>
      %mul3A_339 = arith.constant 0.693147182 : f32
      %mul3A_340 = vector.broadcast %mul3A_339 : f32 to vector<16xf32>
      %mul3A_341 = arith.mulf %add3A_309, %mul3A_340 : vector<16xf32>
      %add3A_342 = arith.addf %mul3A_341, %add3A_338 : vector<16xf32>
      %add3A_343 = arith.addf %sub3A_278, %add3A_342 : vector<16xf32>
      scf.yield %add3A_343 : vector<16xf32>
    }
    %scan3A_206 = arith.constant 8 : i32
    %swap3A = arith.constant 0 : index
    %swap3A_207 = tpu.vector_load %arg7[%swap3A] {strides = array<i32>} : memref<16xf32, #tpu.memory_space<vmem>>, vector<16xf32>,
    tpu.vector_store %arg7[%swap3A], %scan3A_205 {strides = array<i32>} : memref<16xf32, #tpu.memory_space<vmem>>, vector<16xf32>,
    "tpu.region"() ({
      %run_scoped3A = tpu.sem_alloc : memref<!tpu.dma_semaphore, #tpu.memory_space<semaphore_mem>>
      %dma_start3A_208 = arith.constant 0 : i32
      %dma_start3A_209 = tpu.memref_slice %arg4[%add3A, %dma_start3A_208] : memref<32x16xf32, #tpu.memory_space<hbm>> -> memref<1x16xf32, #tpu.memory_space<hbm>>
      %dma_start3A_210 = tpu.memref_squeeze %dma_start3A_209 : memref<1x16xf32, #tpu.memory_space<hbm>> -> memref<16xf32, #tpu.memory_space<hbm>>
      %dma_start3A_211 = arith.constant 0 : i32
      %dma_start3A_212 = tpu.memref_slice %arg4[%add3A, %dma_start3A_211] : memref<32x16xf32, #tpu.memory_space<hbm>> -> memref<1x16xf32, #tpu.memory_space<hbm>>
      %dma_start3A_213 = tpu.memref_squeeze %dma_start3A_212 : memref<1x16xf32, #tpu.memory_space<hbm>> -> memref<16xf32, #tpu.memory_space<hbm>>
      tpu.enqueue_dma source(%arg7 : memref<16xf32, #tpu.memory_space<vmem>>) target(%dma_start3A_213 : memref<16xf32, #tpu.memory_space<hbm>>) target_semaphore(%run_scoped3A : memref<!tpu.dma_semaphore, #tpu.memory_space<semaphore_mem>>)
      %dma_wait3A_214 = arith.constant 0 : i32
      %dma_wait3A_215 = tpu.memref_slice %arg4[%add3A, %dma_wait3A_214] : memref<32x16xf32, #tpu.memory_space<hbm>> -> memref<1x16xf32, #tpu.memory_space<hbm>>
      %dma_wait3A_216 = tpu.memref_squeeze %dma_wait3A_215 : memref<1x16xf32, #tpu.memory_space<hbm>> -> memref<16xf32, #tpu.memory_space<hbm>>
      %dma_wait3A_217 = arith.constant 0 : i32
      %dma_wait3A_218 = tpu.memref_slice %arg4[%add3A, %dma_wait3A_217] : memref<32x16xf32, #tpu.memory_space<hbm>> -> memref<1x16xf32, #tpu.memory_space<hbm>>
      %dma_wait3A_219 = tpu.memref_squeeze %dma_wait3A_218 : memref<1x16xf32, #tpu.memory_space<hbm>> -> memref<16xf32, #tpu.memory_space<hbm>>
      tpu.wait_dma2 semaphore(%run_scoped3A : memref<!tpu.dma_semaphore, #tpu.memory_space<semaphore_mem>>) src(%arg7 : memref<16xf32, #tpu.memory_space<vmem>>) dst(%dma_wait3A_219 : memref<16xf32, #tpu.memory_space<hbm>>)
      tpu.yield
    }) : () -> ()
    return
  }
}

module attributes {stable_mosaic.version = 14 : i64} {
  func.func @_finish_body(%arg0: memref<32x16xf32, #tpu.memory_space<vmem>>, %arg1: memref<1x1xf32, #tpu.memory_space<smem>>, %arg2: memref<1x1xf32, #tpu.memory_space<smem>>) attributes {dimension_semantics = [], scalar_prefetch = 0 : i64, scratch_operands = 0 : i64, tpu.core_type = #tpu.core_type<tc>} {
    %get3A = arith.constant 0 : index
    %get3A_0 = arith.constant 0 : index
    %get3A_1 = vector.load %arg0[%get3A, %get3A_0] : memref<32x16xf32, #tpu.memory_space<vmem>>, vector<32x16xf32>
    %reduce_sum3A = vector.shape_cast %get3A_1 : vector<32x16xf32> to vector<1x32x16xf32>
    %reduce_sum3A_2 = arith.constant dense<0.000000e+00> : vector<1xf32>
    %reduce_sum3A_3 = vector.multi_reduction <add>, %reduce_sum3A, %reduce_sum3A_2 [1, 2] : vector<1x32x16xf32> to vector<1xf32>
    %reduce_sum3A_4 = vector.shape_cast %reduce_sum3A_3 : vector<1xf32> to vector<1x1x1xf32>
    %reduce_sum3A_5 = vector.extract %reduce_sum3A_4[0, 0, 0] : f32 from vector<1x1x1xf32>
    %get3A_6 = arith.constant 0 : index
    %get3A_7 = arith.constant 0 : index
    %get3A_8 = memref.load %arg1[%get3A_6, %get3A_7] : memref<1x1xf32, #tpu.memory_space<smem>>
    %add3A = arith.addf %reduce_sum3A_5, %get3A_8 : f32
    %mul3A = arith.constant 2.500000e-01 : f32
    %mul3A_9 = arith.mulf %add3A, %mul3A : f32
    %swap3A = arith.constant 0 : index
    %swap3A_10 = arith.constant 0 : index
    %swap3A_11 = memref.load %arg2[%swap3A, %swap3A_10] : memref<1x1xf32, #tpu.memory_space<smem>>
    memref.store %mul3A_9, %arg2[%swap3A, %swap3A_10] : memref<1x1xf32, #tpu.memory_space<smem>>
    return
  }
}

module attributes {stable_mosaic.version = 14 : i64} {
  func.func @_tc_body(%arg0: i32, %arg1: i32, %arg2: memref<1x64x1024xf32, #tpu.memory_space<vmem>>, %arg3: memref<1x64x1024xf32, #tpu.memory_space<vmem>>, %arg4: memref<1x1xf32, #tpu.memory_space<smem>>) attributes {dimension_semantics = [#tpu.dimension_semantics<arbitrary>, #tpu.dimension_semantics<arbitrary>], iteration_bounds = array<i64: 2, 4>, scalar_prefetch = 0 : i64, scratch_operands = 0 : i64, tpu.core_type = #tpu.core_type<tc>, window_params = [{transform_indices = @transform_0, window_bounds = array<i64: 1, 64, 1024>}, {transform_indices = @transform_1, window_bounds = array<i64: 1, 64, 1024>}, {transform_indices = @transform_2, window_bounds = array<i64: 1, 1>}]} {
    %get3A = arith.constant 0 : index
    %get3A_0 = arith.constant 0 : index
    %get3A_1 = arith.constant 0 : index
    %get3A_2 = vector.load %arg2[%get3A, %get3A_0, %get3A_1] : memref<1x64x1024xf32, #tpu.memory_space<vmem>>, vector<1x64x1024xf32>
    %get3A_3 = vector.shape_cast %get3A_2 : vector<1x64x1024xf32> to vector<64x1024xf32>
    %get3A_4 = arith.constant 0 : index
    %get3A_5 = arith.constant 0 : index
    %get3A_6 = arith.constant 0 : index
    %get3A_7 = vector.load %arg3[%get3A_4, %get3A_5, %get3A_6] : memref<1x64x1024xf32, #tpu.memory_space<vmem>>, vector<1x64x1024xf32>
    %get3A_8 = vector.shape_cast %get3A_7 : vector<1x64x1024xf32> to vector<64x1024xf32>
    %exp3A = math.exp %get3A_3 : vector<64x1024xf32>
    %reduce_sum3A = arith.constant dense<0.000000e+00> : vector<1024xf32>
    %reduce_sum3A_9 = vector.multi_reduction <add>, %exp3A, %reduce_sum3A [0] : vector<64x1024xf32> to vector<1024xf32>
    %exp3A_10 = math.exp %get3A_8 : vector<64x1024xf32>
    %reduce_sum3A_11 = arith.constant dense<0.000000e+00> : vector<1024xf32>
    %reduce_sum3A_12 = vector.multi_reduction <add>, %exp3A_10, %reduce_sum3A_11 [0] : vector<64x1024xf32> to vector<1024xf32>
    %sub3A = arith.subf %get3A_3, %get3A_8 : vector<64x1024xf32>
    %mul3A = arith.mulf %exp3A, %sub3A : vector<64x1024xf32>
    %reduce_sum3A_13 = arith.constant dense<0.000000e+00> : vector<1024xf32>
    %reduce_sum3A_14 = vector.multi_reduction <add>, %mul3A, %reduce_sum3A_13 [0] : vector<64x1024xf32> to vector<1024xf32>
    %div3A = arith.divf %reduce_sum3A_14, %reduce_sum3A_9 : vector<1024xf32>
    %log3A = math.log %reduce_sum3A_9 : vector<1024xf32>
    %sub3A_15 = arith.subf %div3A, %log3A : vector<1024xf32>
    %log3A_16 = math.log %reduce_sum3A_12 : vector<1024xf32>
    %add3A = arith.addf %sub3A_15, %log3A_16 : vector<1024xf32>
    %reduce_sum3A_17 = vector.shape_cast %add3A : vector<1024xf32> to vector<1x1024xf32>
    %reduce_sum3A_18 = arith.constant dense<0.000000e+00> : vector<1xf32>
    %reduce_sum3A_19 = vector.multi_reduction <add>, %reduce_sum3A_17, %reduce_sum3A_18 [1] : vector<1x1024xf32> to vector<1xf32>
    %reduce_sum3A_20 = vector.shape_cast %reduce_sum3A_19 : vector<1xf32> to vector<1x1xf32>
    %reduce_sum3A_21 = vector.extract %reduce_sum3A_20[0, 0] : f32 from vector<1x1xf32>
    %eq3A = arith.constant 0 : i32
    %eq3A_22 = arith.cmpi eq, %arg0, %eq3A : i32
    %eq3A_23 = arith.constant 0 : i32
    %eq3A_24 = arith.cmpi eq, %arg1, %eq3A_23 : i32
    %and3A = arith.andi %eq3A_22, %eq3A_24 : i1
    %convert_element_type3A = arith.extui %and3A : i1 to i32
    %cond3A = arith.constant 0 : i32
    %cond3A_25 = arith.cmpi ne, %convert_element_type3A, %cond3A : i32
    scf.if %cond3A_25 {
      %swap3A_32 = arith.constant 0.000000e+00 : f32
      %swap3A_33 = arith.constant 0 : index
      %swap3A_34 = arith.constant 0 : index
      %swap3A_35 = memref.load %arg4[%swap3A_33, %swap3A_34] : memref<1x1xf32, #tpu.memory_space<smem>>
      memref.store %swap3A_32, %arg4[%swap3A_33, %swap3A_34] : memref<1x1xf32, #tpu.memory_space<smem>>
    } else {
    }
    %get3A_26 = arith.constant 0 : index
    %get3A_27 = arith.constant 0 : index
    %get3A_28 = memref.load %arg4[%get3A_26, %get3A_27] : memref<1x1xf32, #tpu.memory_space<smem>>
    %add3A_29 = arith.addf %get3A_28, %reduce_sum3A_21 : f32
    %swap3A = arith.constant 0 : index
    %swap3A_30 = arith.constant 0 : index
    %swap3A_31 = memref.load %arg4[%swap3A, %swap3A_30] : memref<1x1xf32, #tpu.memory_space<smem>>
    memref.store %add3A_29, %arg4[%swap3A, %swap3A_30] : memref<1x1xf32, #tpu.memory_space<smem>>
    return
  }
  func.func @transform_0(%arg0: i32, %arg1: i32) -> (i32, i32, i32) {
    %add3A = arith.constant 2 : i32
    %add3A_0 = arith.addi %arg0, %add3A : i32
    %c0_i32 = arith.constant 0 : i32
    %c0_i32_1 = arith.constant 0 : i32
    return %add3A_0, %c0_i32, %arg1 : i32, i32, i32
  }
  func.func @transform_1(%arg0: i32, %arg1: i32) -> (i32, i32, i32) {
    %add3A = arith.constant 2 : i32
    %add3A_0 = arith.addi %arg0, %add3A : i32
    %c0_i32 = arith.constant 0 : i32
    %c0_i32_1 = arith.constant 0 : i32
    return %add3A_0, %c0_i32, %arg1 : i32, i32, i32
  }
  func.func @transform_2(%arg0: i32, %arg1: i32) -> (i32, i32) {
    %c0_i32 = arith.constant 0 : i32
    %c0_i32_0 = arith.constant 0 : i32
    %c0_i32_1 = arith.constant 0 : i32
    return %c0_i32, %c0_i32_0 : i32, i32
  }
}

</mosaic_0001>

<sc_bundles>
// kernel: kernel.5.cloned.1.call-start
scs
__scs_entry_jumppad:
0x0: {  	(pc) =	sbr.rel $0x88, $3  }
0x1: {  	(tag) =	ssettag $0x0;
	lr =	simm.s32 $0x1  }
0x2: {  	[smem:$0x3F9F] =	sst lr;
	_ =	strace $0xD0000000  }
0x3: {  	_ = 	snop  }
0x4: {  	_ = 	snop  }
0x5: {  	_ = 	snop  }
0x6: {  	_ = 	snop  }
0x7: {  	_ = 	snop  }
__scs_overlays_trampoline_lowered:
0x8: {  	[smem:$0x3FAE] =	sst s0  }
0x9: {  	[smem:$0x3FAF] =	sst s1  }
0xa: {  	[smem:$0x3FB0] =	sst s2  }
0xb: {  	[smem:$0x3FB1] =	sst s3  }
0xc: {  	[smem:$0x3FB2] =	sst s4  }
0xd: {  	[smem:$0x3FB3] =	sst s5  }
0xe: {  	[smem:$0x3FB4] =	sst s6  }
0xf: {  	[smem:$0x3FB5] =	sst s7  }
0x10: {  	[smem:$0x3FB6] =	sst s8  }
0x11: {  	[smem:$0x3FB7] =	sst s9;
	s0 =	simm.s32 @!p0 $0x0  }
0x12: {  	s1 =	sld [smem:$0x3F9D];
	s0 =	simm.s32 @p0 $0x1  }
0x13: {  	[smem:$0x3FB8] =	sst s0;
	s0 =	simm.s32 @!p1 $0x0  }
0x14: {  	s2 =	sld [smem:$0x3F9C];
	s0 =	simm.s32 @p1 $0x1  }
0x15: {  	[smem:$0x3FB9] =	sst s0;
	s0 =	simm.s32 @!p2 $0x0  }
0x16: {  	s3 =	sld [smem:$0x3FDB];
	s0 =	simm.s32 @p2 $0x1  }
0x17: {  	s4 =	simm.s32 $0x1BF5;
	[smem:$0x3FBB] =	sst s0  }
0x18: {  	s0 =	sld [smem:$0x3F9E];
	_ =	swait.ge [sflag:s4], $0x0  }
0x19: {  	s7 =	sld [smem:$0x3F9F]  }
0x1a: {  	s8 =	sadd.s32 $0xFFFFE003, lr  }
0x1b: {  	s9 =	sadd.s32 $0xFFFFFEF7, lr;
	s5 =	simm.s32 $0xFFFFFFFF;
	p2 =	slt.u32 s8, $0xFFFFF086  }
0x1c: {  	p1 =	slt.u32 s9, $0xF7A;
	s5 =	simm.s32 @!p2 $0x0  }
0x1d: {  	s5 =	simm.s32 @p1 $0x1;
	p0 =	seq.s32 s7, s2  }
0x1e: {  	s7 =	smul.u32 @!p0 $0xF7A, s2;
	p2 =	seq.s32 @!p0 s5, $0x0  }
0x1f: {  	s9 =	smul.u32 $0xF7A, s1;
	s8 =	simm.s32 @!p0 $0x1BF5;
	p2 =	por !p2, p0  }
0x20: {  	[sflag:s8] =	ssyncset.s32 @!p0 $0xFFFFF086;
	s6 =	sadd.s32 @!p0 s3, s7;
	s7 =	simm.s32 @!p0 $0x108  }
0x21: {  	s3 =	sadd.s32 s3, s9;
	s6 =	sadd.s32 @!p0 $0x88, s6;
	s7 =	simm.s32 @p2 $0x1082  }
0x22: {  	[simem:s7], [sflag:s8] =	dma.local @!p0 [hbm:s6], $0xF7A  }
0x23: {  	s9 =	sor.u32 $0xD0000000, s2;
	s6 =	simm.s32 $0x108;
	_ =	swait.ge @!p0 [sflag:s8], $0x0  }
0x24: {  	s3 =	sadd.s32 $0x88, s3;
	s6 =	simm.s32 @!p1 $0x1082;
	[sflag:s4] =	ssyncset.s32 $0xFFFFF086  }
0x25: {  	[simem:s6], [sflag:s4] =	dma.local [hbm:s3], $0xF7A  }
0x26: {  	[smem:$0x3F9F] =	sst s1;
	(tag) =	ssettag s2;
	_ =	strace s9  }
0x27: {  	s1 =	sld [smem:$0x3FAF]  }
0x28: {  	s2 =	sld [smem:$0x3FB0]  }
0x29: {  	s4 =	sld [smem:$0x3FB2]  }
0x2a: {  	p0 =	seq.s32 s5, $0x0;
	s5 =	sld [smem:$0x3FB3]  }
0x2b: {  	s6 =	sld [smem:$0x3FB4]  }
0x2c: {  	s7 =	sld [smem:$0x3FB5]  }
0x2d: {  	s3 =	simm.s32 $0x108;
	s8 =	sld [smem:$0x3FB6]  }
0x2e: {  	s3 =	simm.s32 @!p0 $0x1082;
	s9 =	sld [smem:$0x3FB7]  }
0x2f: {  	lr =	sadd.s32 s0, s3;
	s0 =	sld [smem:$0x3FAE]  }
0x30: {  	s3 =	sld [smem:$0x3FB1]  }
0x31: {  	[smem:$0x3FBA] =	sst s10  }
0x32: {  	s10 =	sld [smem:$0x3FB8];
	_ =	sdelay $0x3  }
0x33: {  	p0 =	seq.s32 s10, $0x1;
	s10 =	sld [smem:$0x3FBA];
	_ =	sdelay $0x3  }
0x34: {  	[smem:$0x3FBA] =	sst s10  }
0x35: {  	s10 =	sld [smem:$0x3FB9];
	_ =	sdelay $0x3  }
0x36: {  	p1 =	seq.s32 s10, $0x1;
	s10 =	sld [smem:$0x3FBA];
	_ =	sdelay $0x3  }
0x37: {  	[smem:$0x3FBA] =	sst s10  }
0x38: {  	s10 =	sld [smem:$0x3FBB]  }
0x39: {  	_ = 	snop;
	(pc) =	sbr.ind lr, $3  }
0x3a: {  	_ = 	snop  }
0x3b: {  	_ = 	snop  }
0x3c: {  	p2 =	seq.s32 s10, $0x1;
	s10 =	sld [smem:$0x3FBA]  }
0x3d: {  	_ =	shalt  }
0x3e: {  	_ =	shalt  }
0x3f: {  	_ =	shalt  }
0x40: {  	_ =	shalt  }
0x41: {  	_ =	shalt  }
0x42: {  	_ =	shalt  }
0x43: {  	_ =	shalt  }
0x44: {  	_ =	shalt  }
0x45: {  	_ =	shalt  }
0x46: {  	_ =	shalt  }
0x47: {  	_ =	shalt  }
0x48: {  	_ =	shalt  }
0x49: {  	_ =	shalt  }
0x4a: {  	_ =	shalt  }
0x4b: {  	_ =	shalt  }
0x4c: {  	_ =	shalt  }
0x4d: {  	_ =	shalt  }
0x4e: {  	_ =	shalt  }
0x4f: {  	_ =	shalt  }
0x50: {  	_ =	shalt  }
0x51: {  	_ =	shalt  }
0x52: {  	_ =	shalt  }
0x53: {  	_ =	shalt  }
0x54: {  	_ =	shalt  }
0x55: {  	_ =	shalt  }
0x56: {  	_ =	shalt  }
0x57: {  	_ =	shalt  }
0x58: {  	_ =	shalt  }
0x59: {  	_ =	shalt  }
0x5a: {  	_ =	shalt  }
0x5b: {  	_ =	shalt  }
0x5c: {  	_ =	shalt  }
0x5d: {  	_ =	shalt  }
0x5e: {  	_ =	shalt  }
0x5f: {  	_ =	shalt  }
0x60: {  	_ =	shalt  }
0x61: {  	_ =	shalt  }
0x62: {  	_ =	shalt  }
0x63: {  	_ =	shalt  }
0x64: {  	_ =	shalt  }
0x65: {  	_ =	shalt  }
0x66: {  	_ =	shalt  }
0x67: {  	_ =	shalt  }
0x68: {  	_ =	shalt  }
0x69: {  	_ =	shalt  }
0x6a: {  	_ =	shalt  }
0x6b: {  	_ =	shalt  }
0x6c: {  	_ =	shalt  }
0x6d: {  	_ =	shalt  }
0x6e: {  	_ =	shalt  }
0x6f: {  	_ =	shalt  }
0x70: {  	_ =	shalt  }
0x71: {  	_ =	shalt  }
0x72: {  	_ =	shalt  }
0x73: {  	_ =	shalt  }
0x74: {  	_ =	shalt  }
0x75: {  	_ =	shalt  }
0x76: {  	_ =	shalt  }
0x77: {  	_ =	shalt  }
0x78: {  	_ =	shalt  }
0x79: {  	_ =	shalt  }
0x7a: {  	_ =	shalt  }
0x7b: {  	_ =	shalt  }
0x7c: {  	_ =	shalt  }
0x7d: {  	_ =	shalt  }
0x7e: {  	_ =	shalt  }
0x7f: {  	_ =	shalt  }
0x80: {  	_ =	shalt  }
0x81: {  	_ =	shalt  }
0x82: {  	_ =	shalt  }
0x83: {  	_ =	shalt  }
0x84: {  	_ =	shalt  }
0x85: {  	_ =	shalt  }
0x86: {  	_ =	shalt  }
0x87: {  	_ =	shalt  }
.Lfunc_end0:
.L_simem_size_0:
called_computation_lowered:
.L_overlay_start_0:
0x88: {  	s2 =	sld [smem:$0x3FD9]  }
0x89: {  	s3 =	sld [smem:$0x3FFE];
	_ =	sdelay $0x1  }
0x8a: {  	s1 =	srdreg.scid  }
0x8b: {  	s0 =	sand.u32 $0x1, s1  }
0x8c: {  	s17 =	sshll.u32 s0, $0xA;
	s2 =	sadd.s32 s3, s2  }
0x8d: {  	s2 =	sadd.s32 s2, s17  }
0x8e: {  	[smem:$0x3FC6] =	sst s2  }
0x8f: {  	_ = 	snop  }
0x90: {  	s2 =	sld [smem:$0x3FC9]  }
0x91: {  	s18 =	sld [smem:$0x3FC8];
	(tm) =	ssettm $0x1  }
0x92: {  	s4 =	sld [smem:$0x3FFB];
	_ =	sdelay $0x3  }
0x93: {  	_ =	strace s4  }
0x94: {  	s4 =	sld [smem:$0x3FFC];
	_ =	sdelay $0x3  }
0x95: {  	_ =	strace s4  }
0x96: {  	s4 =	sld [smem:$0x3FFD];
	_ =	sdelay $0x3  }
0x97: {  	_ =	strace s4  }
0x98: {  	_ =	strace $0x8FFFFFFF  }
0x99: {  	s19 =	sld [smem:$0x3FDB];
	_ =	sdelay $0x1  }
0x9a: {  	s5 =	simm.s32 $_scs_section_size  }
0x9b: {  	s6 =	simm.s32 $_size__tile_overlayer_lowered;
	s7 =	simm.s32 $_tile_overlayer_lowered  }
0x9c: {  	s22 =	simm.s32 $0x1BFF;
	s21 =	sshll.u32 s7, $0x1;
	s4 =	sadd.s32 s5, s19  }
0x9d: {  	s8 =	simm.s32 $0x0;
	s20 =	sshll.u32 s6, $0x1;
	s6 =	sadd.s32 s21, s4  }
0x9e: {  	[timem:s8], [sflag:s22] =	dma.local [hbm:s6], s20  }
0x9f: {  	_ =	swait.ge [sflag:s22], s20  }
0xa0: {  	s5 =	ssub.s32 $0x0, s20;
	[sflag:s22] =	ssyncset.done $0x0  }
0xa1: {  	[sflag:s22] =	ssyncadd.s32 s5;
	_ =	sdelay $0x1  }
0xa2: {  	s23 =	simm.s32 $0x1B8B  }
0xa3: {  	_ =	swait.ge [sflag:s23], $0x1  }
0xa4: {  	[sflag:s23] =	ssyncset.done $0x0  }
0xa5: {  	s25 =	simm.s32 $0x1B8E;
	s24 =	sld [smem:$0x3FFE];
	[sflag:s23] =	ssyncadd.s32 $0xFFFFFFFF  }
0xa6: {  	s26 =	simm.s32 $execute0_lowered;
	[smem:$0x3FD2] =	sst s25  }
0xa7: {  	s6 =	sshll.u32 s26, $0x1;
	_ =	strace $0x80000046;
	[dreg:$0x1] =	wrdreg $0xFFFFFFFF  }
0xa8: {  	s28 =	simm.s32 $_size_execute0_lowered;
	s4 =	sadd.s32 s4, s6;
	[dreg:$0x0] =	wrdreg $0x0  }
0xa9: {  	s6 =	sshll.u32 s28, $0x1;
	[dreg:$0x2] =	wrdreg s4  }
0xaa: {  	[dreg:$0x3] =	wrdreg s6  }
0xab: {  	[dreg:$0x4] =	wrdreg $0xC0  }
0xac: {  	_ =	task [dreg:s8], $0x5FFFF  }
0xad: {  	[dreg:$0x1] =	wrdreg $0xFFFFFFFF  }
0xae: {  	[dreg:$0x0] =	wrdreg $0x60  }
0xaf: {  	[dreg:$0x2] =	wrdreg s2  }
0xb0: {  	[dreg:$0x3] =	wrdreg s18  }
0xb1: {  	[dreg:$0x4] =	wrdreg s24  }
0xb2: {  	[dreg:$0x5] =	wrdreg $0x9  }
0xb3: {  	_ =	task.clear_ibuf [dreg:s8], $0x6FFFF;
	_ =	strace $0x90000046  }
0xb4: {  	s29 =	simm.s32 $0x9;
	_ =	strace $0x80000048  }
0xb5: {  	_ =	swait.ge [sflag:s29], $0x1  }
0xb6: {  	[sflag:s29] =	ssyncadd.s32 $0xFFFFFFFF  }
0xb7: {  	_ =	strace $0x90000048  }
0xb8: {  	_ =	sfence  }
0xb9: {  	s30 =	sld [smem:$0x0];
	_ =	sdelay $0x2  }
0xba: {  	s31 =	sshll.u32 s1, $0xD;
	s1 =	sshrl.u32 s1, $0x2  }
0xbb: {  	s3 =	sand.u32 $0x4000, s31;
	s1 =	sadd.s32 s1, s30  }
0xbc: {  	s0 =	sor.u32 s3, s0;
	s1 =	sshll.u32 s1, $0x11  }
0xbd: {  	s0 =	sor.u32 s1, s0  }
0xbe: {  	s0 =	sadd.s32 $0x8F2B, s0  }
0xbf: {  	[sflag:s0] =	ssyncadd.remote.s32 $0x1  }
0xc0: {  	_ =	sfence.sel $0xFFFF  }
0xc1: {  	[dreg:$0x0] =	wrdreg $0xFFFFFFFF;
	(pc) =	sbr.abs _section_cstart, $3  }
0xc2: {  	[dreg:$0x1] =	wrdreg $0xFFFFFFFF  }
0xc3: {  	_ =	task.clear_ibuf [dreg:s8], $0x2FFFF;
	_ =	strace $0x9FFFFFFF  }
0xc4: {  	(tm) =	ssettm $0x7FFFFFFF  }
0xc5: {  	_ =	shalt  }
tec
execute0_lowered:
.L_overlay_start_1:
0x0: {  	(tag) =	ssettag $0x1  }
0x1: {  	s5 =	rddreg [dreg:$0x0]  }
0x2: {  	s6 =	rddreg [dreg:$0x1];
	s1 =	srdreg.scid  }
0x3: {  	s0 =	stileid.u32;
	s3 =	rddreg [dreg:$0x2]  }
0x4: {  	s2 =	simm.s32 $0x0;
	s12 =	simm.s32 $0x2000;
	s13 =	simm.s32 $0x6000  }
0x5: {  	s14 =	simm.s32 $0x1;
	s15 =	simm.s32 $0x3;
	s16 =	simm.s32 $0x2  }
0x6: {  	s17 =	simm.s32 $0x4;
	s18 =	simm.s32 $0x5;
	s19 =	simm.s32 $0x0  }
0x7: {  	s4 =	sand.u32 $0x1, s1;
	s7 =	sshll.u32 s0, $0x1;
	s1 =	rddreg [dreg:$0x3]  }
0x8: {  	[smem:$0x7FF] =	sst s2;
	s31 =	sshll.u32 s0, $0xF;
	s7 =	sor.u32 s4, s7  }
0x9: {  	_ =	strace $0x80000047;
	s29 =	ssub.s32 $0x2, s4;
	s8 =	sshll.u32 s7, $0x4  }
0xa: {  	s30 =	sand.u32 $0xF, s7;
	s9 =	sshrl.u32 s29, $0x1;
	s7 =	sand.u32 $0x40000, s31  }
0xb: {  	s8 =	sadd.s32 s8, s3;
	s10 =	sshll.u32 s30, $0xB;
	s4 =	sshll.u32 s30, $0x8  }
0xc: {  	s11 =	sshrl.u32 s7, $0x3;
	s9 =	ssub.s32 s29, s9;
	s7 =	sor.u32 s7, s10  }
0xd: {  	s4 =	sor.u32 s11, s4;
	s10 =	simm.s32 $0x8000;
	s7 =	sshrl.u32 s7, $0x3  }
0xe: {  	s11 =	simm.s32 $0x4000;
	s3 =	sadd.s32 s5, s4;
	s7 =	sor.u32 $0x80, s7  }
0xf: {  	s4 =	sadd.s32 s6, s4;
	s5 =	sadd.s32 s5, s7;
	s6 =	sadd.s32 s6, s7  }
0x10: {  	v0 =	vimm.f32 $0.0e+00;
	s7 =	sadd.s32 $0xA00, s8;
	s8 =	smax.u32 s9, $0x1;
	s9 =	simm.s32 $0x400  }
.LBB2_1:
0x11: {  	[tilespmem:s2], [sflag:$0x1] =	stream.strided.gather [hbm4b:s3+s9], $0x2000, s10, s9, $0x38;
	[tilespmem:$0x8080] =	vst v63  }
0x12: {  	_ = 	snop  }
0x13: {  	[tilespmem:s11], [sflag:$0x3] =	stream.strided.gather [hbm4b:s4+s9], $0x2000, s10, s9, $0x38;
	[tilespmem:$0x8080] =	vst v63  }
0x14: {  	_ = 	snop  }
0x15: {  	[tilespmem:s12], [sflag:$0x2] =	stream.strided.gather [hbm4b:s5+s9], $0x2000, s10, s9, $0x38;
	[tilespmem:$0x8080] =	vst v63  }
0x16: {  	_ = 	snop  }
0x17: {  	[tilespmem:s13], [sflag:$0x4] =	stream.strided.gather [hbm4b:s6+s9], $0x2000, s10, s9, $0x38;
	[tilespmem:$0x8080] =	vst v63  }
0x18: {  	_ =	swait.ge [sflag:s14], $0x2000  }
0x19: {  	[sflag:s14] =	ssyncset.done $0x0  }
0x1a: {  	[sflag:s14] =	ssyncadd.s32 $0xFFFFE000  }
0x1b: {  	_ =	swait.ge [sflag:s15], $0x2000  }
0x1c: {  	s20 =	simm.s32 $0x4200;
	[sflag:s15] =	ssyncset.done $0x0  }
0x1d: {  	s21 =	simm.s32 $0x200;
	v1 =	vimm.f32 $0.0e+00;
	s22 =	simm.s32 $0x0;
	[sflag:s15] =	ssyncadd.s32 $0xFFFFE000  }
.LBB2_2:
0x1e: {  	v4 =	vld [tilespmem:s20+$0x100]  }
0x1f: {  	v7 =	vld [tilespmem:s20+$0x80]  }
0x20: {  	v3 =	vld [tilespmem:s20+$0xFFFFFE80]  }
0x21: {  	v5 =	vld [tilespmem:s20+$0x180]  }
0x22: {  	v12 =	vld [tilespmem:s20+$0xFFFFFE00]  }
0x23: {  	v8 =	vld [tilespmem:s21+$0x180]  }
0x24: {  	v13 =	vld [tilespmem:s21+$0xFFFFFE00]  }
0x25: {  	v17 =	vld [tilespmem:s21+$0x100]  }
0x26: {  	v6 =	vld [tilespmem:s21+$0xFFFFFE80]  }
0x27: {  	v14 =	vld [tilespmem:s21+$0xFFFFFF00]  }
0x28: {  	v18 =	vld [tilespmem:s21+$0x80];
	v2 =	vmul.f32 $1.442695020e+00, v4  }
0x29: {  	v22 =	vld [tilespmem:s21+$0x0];
	v10 =	vmul.f32 $1.442695020e+00, v3;
	v11 =	vmul.f32 $1.442695020e+00, v7  }
0x2a: {  	v19 =	vld [tilespmem:s20+$0xFFFFFF00];
	(erf) = vpow2.f32 v2;
	v2 =	vmul.f32 $1.442695020e+00, v13  }
0x2b: {  	v16 =	vld [tilespmem:s21+$0xFFFFFF80];
	v20 =	vmul.f32 $1.442695020e+00, v12;
	(erf) = vpow2.f32 v11  }
0x2c: {  	v21 =	vmul.f32 $1.442695020e+00, v6;
	v11 =	vld [tilespmem:s20+$0xFFFFFF80];
	(erf) = vpow2.f32 v2  }
0x2d: {  	v9 =	vld [tilespmem:s20+$0x0];
	v15 =	vimm.f32 $0.0e+00;
	v23 =	vmul.f32 $1.442695020e+00, v14;
	(erf) = vpow2.f32 v20  }
0x2e: {  	v4 =	vsub.f32 v17, v4;
	v24 =	vmul.f32 $1.442695020e+00, v22;
	(erf) = vpow2.f32 v21  }
0x2f: {  	v7 =	vsub.f32 v18, v7;
	v20 =	vmul.f32 $1.442695020e+00, v19;
	(erf) = vpow2.f32 v10  }
0x30: {  	v14 =	vsub.f32 v14, v19;
	v21 =	vmul.f32 $1.442695020e+00, v16;
	(erf) = vpow2.f32 v23  }
0x31: {  	v2 =	vsub.f32 v8, v5;
	v23 =	vmul.f32 $1.442695020e+00, v11;
	(erf) = vpow2.f32 v20  }
0x32: {  	v19 =	vmul.f32 $1.442695020e+00, v17;
	v10 =	vsub.f32 v22, v9;
	(erf) = vpow2.f32 v21  }
0x33: {  	v11 =	vsub.f32 v16, v11;
	v21 =	vmul.f32 $1.442695020e+00, v9;
	v9 =	vpop (erf);
	(erf) = vpow2.f32 v23  }
0x34: {  	v16 =	vsub.f32 v13, v12;
	v20 =	vmul.f32 $1.442695020e+00, v18;
	v12 =	vpop (erf);
	(erf) = vpow2.f32 v24  }
0x35: {  	s23 =	simm.s32 $0x0;
	s24 =	sadd.s32 $0x400, s20;
	s25 =	smov.u32 s21;
	v13 =	vimm.f32 $0.0e+00;
	v18 =	vimm.f32 $0.0e+00;
	v17 =	vpop (erf);
	(erf) = vpow2.f32 v21  }
.LBB2_3:
0x36: {  	v21 =	vld [tilespmem:s24+$0x100];
	v23 =	vmul.f32 v16, v17;
	v6 =	vsub.f32 v6, v3;
	v22 =	vpop (erf);
	(erf) = vpow2.f32 v20  }
0x37: {  	v15 =	vadd.f32 v17, v15;
	v8 =	vmul.f32 $1.442695020e+00, v8;
	v20 =	vld [tilespmem:s24+$0x80];
	v17 =	vpop (erf);
	(erf) = vpow2.f32 v19  }
0x38: {  	v18 =	vadd.f32 v22, v18;
	v3 =	vld [tilespmem:s24+$0xFFFFFE80];
	v13 =	vadd.f32 v23, v13;
	v6 =	vmul.f32 v6, v17;
	v16 =	vpop (erf)  }
0x39: {  	v15 =	vadd.f32 v17, v15;
	v17 =	vmul.f32 $1.442695020e+00, v5;
	v5 =	vld [tilespmem:s24+$0x180];
	v19 =	vpop (erf);
	(erf) = vpow2.f32 v8  }
0x3a: {  	s25 =	sadd.s32 $0x400, s25;
	v23 =	vadd.f32 v16, v18;
	v22 =	vld [tilespmem:s24+$0xFFFFFE00];
	v6 =	vadd.f32 v6, v13;
	v13 =	vmul.f32 v14, v19;
	v14 =	vpop (erf)  }
0x3b: {  	v15 =	vadd.f32 v19, v15;
	v18 =	vmul.f32 $1.442695020e+00, v21;
	v8 =	vld [tilespmem:s25+$0x180];
	v19 =	vpop (erf);
	(erf) = vpow2.f32 v17  }
0x3c: {  	v14 =	vadd.f32 v14, v23;
	v17 =	vld [tilespmem:s25+$0xFFFFFE00];
	v26 =	vadd.f32 v13, v6;
	v11 =	vmul.f32 v11, v19;
	v16 =	vpop (erf)  }
0x3d: {  	s23 =	sadd.s32 $0x8, s23;
	v24 =	vmul.f32 $1.442695020e+00, v20;
	v15 =	vadd.f32 v19, v15;
	v23 =	vmul.f32 $1.442695020e+00, v3;
	v25 =	vld [tilespmem:s25+$0x100];
	v19 =	vpop (erf)  }
0x3e: {  	p0 =	slt.u32 s23, $0x38;
	v14 =	vadd.f32 v16, v14;
	v6 =	vld [tilespmem:s25+$0xFFFFFE80];
	v27 =	vadd.f32 v11, v26;
	v10 =	vmul.f32 v10, v19;
	v13 =	vpop (erf)  }
0x3f: {  	v15 =	vadd.f32 v19, v15;
	v16 =	vmul.f32 $1.442695020e+00, v22;
	v26 =	vld [tilespmem:s24+$0x0];
	(erf) = vpow2.f32 v18;
	v18 =	vpop (erf)  }
0x40: {  	v13 =	vadd.f32 v13, v14;
	v19 =	vld [tilespmem:s25+$0xFFFFFF00];
	v28 =	vadd.f32 v10, v27;
	v7 =	vmul.f32 v7, v18;
	v11 =	vpop (erf)  }
0x41: {  	v15 =	vadd.f32 v18, v15;
	v14 =	vmul.f32 $1.442695020e+00, v17;
	v27 =	vld [tilespmem:s25+$0x80];
	(erf) = vpow2.f32 v24  }
0x42: {  	v12 =	vadd.f32 v12, v13;
	v4 =	vmul.f32 v4, v11;
	v24 =	vld [tilespmem:s24+$0xFFFFFF00];
	v18 =	vadd.f32 v7, v28;
	v10 =	vpop (erf)  }
0x43: {  	v11 =	vadd.f32 v11, v15;
	v13 =	vmul.f32 $1.442695020e+00, v6;
	v28 =	vld [tilespmem:s25+$0xFFFFFF80];
	(erf) = vpow2.f32 v14  }
0x44: {  	v9 =	vadd.f32 v9, v12;
	v2 =	vmul.f32 v2, v10;
	v14 =	vld [tilespmem:s24+$0xFFFFFF80];
	v4 =	vadd.f32 v4, v18;
	v7 =	vpop (erf)  }
0x45: {  	v15 =	vadd.f32 v10, v11;
	v12 =	vmul.f32 $1.442695020e+00, v19;
	v29 =	vld [tilespmem:s25+$0x0];
	(erf) = vpow2.f32 v16  }
0x46: {  	v18 =	vadd.f32 v7, v9;
	(erf) = vpow2.f32 v13;
	v13 =	vadd.f32 v2, v4  }
0x47: {  	v2 =	vsub.f32 v8, v5;
	v10 =	vmul.f32 $1.442695020e+00, v24;
	(erf) = vpow2.f32 v23  }
0x48: {  	v4 =	vsub.f32 v25, v21;
	v11 =	vmul.f32 $1.442695020e+00, v28;
	(erf) = vpow2.f32 v12;
	v9 =	vpop (erf)  }
.Ltmp0:
0x49: {  	v7 =	vsub.f32 v27, v20;
	v16 =	vmul.f32 $1.442695020e+00, v14;
	(erf) = vpow2.f32 v10;
	(pc) =	sbr.rel @p0 .LBB2_3-.Ltmp0, $4  }
0x4a: {  	v21 =	vmul.f32 $1.442695020e+00, v29;
	v10 =	vsub.f32 v29, v26;
	(erf) = vpow2.f32 v11;
	v12 =	vpop (erf)  }
0x4b: {  	v23 =	vmul.f32 $1.442695020e+00, v26;
	v11 =	vsub.f32 v28, v14;
	(erf) = vpow2.f32 v16  }
0x4c: {  	v20 =	vmul.f32 $1.442695020e+00, v27;
	v16 =	vsub.f32 v17, v22;
	v17 =	vpop (erf);
	(erf) = vpow2.f32 v21  }
0x4d: {  	s24 =	sadd.s32 $0x400, s24;
	v14 =	vsub.f32 v19, v24;
	v19 =	vmul.f32 $1.442695020e+00, v25;
	(erf) = vpow2.f32 v23  }
0x4e: {  	v21 =	vpop (erf);
	(erf) = vpow2.f32 v20;
	v15 =	vadd.f32 v17, v15  }
0x4f: {  	v8 =	vmul.f32 $1.442695020e+00, v8;
	v34 =	vpop (erf)  }
0x50: {  	(erf) = vpow2.f32 v19;
	v18 =	vadd.f32 v21, v18;
	v35 =	vpop (erf);
	v15 =	vadd.f32 v34, v15  }
0x51: {  	v5 =	vmul.f32 $1.442695020e+00, v5;
	v36 =	vpop (erf)  }
0x52: {  	(erf) = vpow2.f32 v8;
	v18 =	vadd.f32 v35, v18;
	v37 =	vpop (erf);
	v15 =	vadd.f32 v36, v15  }
0x53: {  	v38 =	vpop (erf)  }
0x54: {  	(erf) = vpow2.f32 v5;
	v39 =	vadd.f32 v37, v18;
	v22 =	vpop (erf);
	v15 =	vadd.f32 v38, v15  }
0x55: {  	v40 =	vpop (erf)  }
0x56: {  	v5 =	vadd.f32 v22, v39;
	v41 =	vpop (erf);
	v15 =	vadd.f32 v40, v15  }
0x57: {  	v42 =	vpop (erf)  }
0x58: {  	v5 =	vadd.f32 v41, v5;
	v15 =	vadd.f32 v42, v15  }
0x59: {  	v43 =	vpop (erf)  }
0x5a: {  	v5 =	vadd.f32 v12, v5;
	v15 =	vadd.f32 v43, v15  }
0x5b: {  	v44 =	vpop (erf)  }
0x5c: {  	v5 =	vadd.f32 v9, v5;
	v15 =	vadd.f32 v44, v15  }
0x5d: {  	v45 =	vpop (erf)  }
0x5e: {  	v5 =	vadd.f32 v45, v5;
	v23 =	vand.u32 $0x7FFFFF, v15  }
0x5f: {  	v46 =	vor.u32 $0x3F800000, v23  }
0x60: {  	v24 =	vand.u32 $0x7FFFFF, v5;
	v23 =	vmul.f32 $5.000000000e-01, v46  }
0x61: {  	vm1 =	vgt.f32 v46, $1.414213540e+00;
	v47 =	vor.u32 $0x3F800000, v24  }
0x62: {  	v24 =	vmul.f32 $5.000000000e-01, v47;
	v9 =	vsel vm1, v23, v46  }
0x63: {  	vm0 =	vgt.f32 v47, $1.414213540e+00;
	v9 =	vadd.f32 $-1.000000000e+00, v9  }
0x64: {  	v23 =	vsel vm0, v24, v47  }
0x65: {  	v23 =	vadd.f32 $-1.000000000e+00, v23;
	v48 =	vmul.f32 $1.376644820e-01, v9  }
0x66: {  	v16 =	vmul.f32 v16, v17;
	v3 =	vsub.f32 v6, v3  }
0x67: {  	v50 =	vmul.f32 $1.376644820e-01, v23;
	v49 =	vsub.f32 $2.203906770e-01, v48  }
0x68: {  	v13 =	vadd.f32 v16, v13;
	v3 =	vmul.f32 v3, v34  }
0x69: {  	v51 =	vsub.f32 $2.203906770e-01, v50;
	v6 =	vmul.f32 v49, v9  }
0x6a: {  	v3 =	vadd.f32 v3, v13;
	v52 =	vmul.f32 v14, v36  }
0x6b: {  	v53 =	vmul.f32 v51, v23;
	v6 =	vadd.f32 $-2.552298310e-01, v6  }
0x6c: {  	v3 =	vadd.f32 v52, v3;
	v11 =	vmul.f32 v11, v38  }
0x6d: {  	v54 =	vadd.f32 $-2.552298310e-01, v53;
	v6 =	vmul.f32 v6, v9  }
0x6e: {  	v3 =	vadd.f32 v11, v3;
	v8 =	vmul.f32 v10, v40  }
0x6f: {  	v55 =	vmul.f32 v54, v23;
	v6 =	vadd.f32 $3.325308560e-01, v6  }
0x70: {  	v7 =	vmul.f32 v7, v42;
	v3 =	vadd.f32 v8, v3;
	(erf) = vrcp.f32 v15  }
0x71: {  	v56 =	vadd.f32 $3.325308560e-01, v55;
	v6 =	vmul.f32 v6, v9  }
0x72: {  	v4 =	vmul.f32 v4, v43;
	v3 =	vadd.f32 v7, v3;
	v2 =	vmul.f32 v2, v44  }
0x73: {  	v58 =	vshrl.u32 v15, $0x17;
	v8 =	vmul.f32 v56, v23;
	v6 =	vadd.f32 $-4.998234810e-01, v6  }
0x74: {  	v3 =	vadd.f32 v4, v3;
	v4 =	vand.u32 $0xFF, v58;
	v5 =	vshrl.u32 v5, $0x17  }
0x75: {  	v4 =	vadd.s32 $0xFFFFFF81, v4;
	v8 =	vadd.f32 $-4.998234810e-01, v8;
	v6 =	vmul.f32 v6, v9  }
0x76: {  	v2 =	vadd.f32 v2, v3;
	v5 =	vand.u32 $0xFF, v5;
	v4 =	vcvt.s32.f32 v4  }
0x77: {  	v5 =	vadd.s32 $0xFFFFFF81, v5;
	v8 =	vmul.f32 v8, v23;
	v6 =	vadd.f32 $1.000008340e+00, v6  }
0x78: {  	v57 =	vsel vm1, $0x3F800000, v0;
	v5 =	vcvt.s32.f32 v5;
	v61 =	vsel vm0, $0x3F800000, v0  }
0x79: {  	v4 =	vadd.f32 v4, v57;
	v59 =	vpop (erf);
	v60 =	vadd.f32 $1.000008340e+00, v8;
	v3 =	vmul.f32 v6, v9  }
0x7a: {  	v5 =	vadd.f32 v5, v61;
	v2 =	vmul.f32 v2, v59  }
0x7b: {  	s22 =	sadd.s32 $0x1, s22;
	v4 =	vmul.f32 $6.931471820e-01, v4;
	v62 =	vmul.f32 v60, v23;
	v3 =	vadd.f32 $-7.989150960e-07, v3  }
0x7c: {  	p0 =	sne.s32 s22, $0x8;
	v1 =	vadd.f32 v2, v1  }
.Ltmp1:
0x7d: {  	v63 =	vmul.f32 $6.931471820e-01, v5;
	v2 =	vadd.f32 v3, v4;
	v3 =	vadd.f32 $-7.989150960e-07, v62;
	(pc) =	sbr.rel @p0 .LBB2_2-.Ltmp1, $3  }
0x7e: {  	_ = 	snop  }
0x7f: {  	v1 =	vsub.f32 v1, v2;
	v2 =	vadd.f32 v3, v63;
	_ =	sdelay $0x1  }
0x80: {  	s20 =	sadd.s32 $0x10, s20;
	s21 =	sadd.s32 $0x10, s21;
	v1 =	vadd.f32 v2, v1  }
0x81: {  	_ =	swait.ge [sflag:s16], $0x2000  }
0x82: {  	[sflag:s16] =	ssyncset.done $0x0  }
0x83: {  	[sflag:s16] =	ssyncadd.s32 $0xFFFFE000  }
0x84: {  	_ =	swait.ge [sflag:s17], $0x2000  }
0x85: {  	s20 =	simm.s32 $0x0;
	[sflag:s17] =	ssyncset.done $0x0  }
0x86: {  	s21 =	simm.s32 $0x6380;
	s22 =	simm.s32 $0x2380;
	[sflag:s17] =	ssyncadd.s32 $0xFFFFE000  }
.LBB2_6:
0x87: {  	v4 =	vld [tilespmem:s21+$0xFFFFFF80]  }
0x88: {  	v7 =	vld [tilespmem:s21+$0xFFFFFF00]  }
0x89: {  	v3 =	vld [tilespmem:s21+$0xFFFFFD00]  }
0x8a: {  	v5 =	vld [tilespmem:s21+$0x0]  }
0x8b: {  	v12 =	vld [tilespmem:s21+$0xFFFFFC80]  }
0x8c: {  	v8 =	vld [tilespmem:s22+$0x0]  }
0x8d: {  	v13 =	vld [tilespmem:s22+$0xFFFFFC80]  }
0x8e: {  	v17 =	vld [tilespmem:s22+$0xFFFFFF80]  }
0x8f: {  	v6 =	vld [tilespmem:s22+$0xFFFFFD00]  }
0x90: {  	v14 =	vld [tilespmem:s22+$0xFFFFFD80]  }
0x91: {  	v18 =	vld [tilespmem:s22+$0xFFFFFF00];
	v2 =	vmul.f32 $1.442695020e+00, v4  }
0x92: {  	v22 =	vld [tilespmem:s22+$0xFFFFFE80];
	v10 =	vmul.f32 $1.442695020e+00, v3;
	v11 =	vmul.f32 $1.442695020e+00, v7  }
0x93: {  	v19 =	vld [tilespmem:s21+$0xFFFFFD80];
	(erf) = vpow2.f32 v2;
	v2 =	vmul.f32 $1.442695020e+00, v13  }
0x94: {  	v16 =	vld [tilespmem:s22+$0xFFFFFE00];
	v20 =	vmul.f32 $1.442695020e+00, v12;
	(erf) = vpow2.f32 v11  }
0x95: {  	v21 =	vmul.f32 $1.442695020e+00, v6;
	v11 =	vld [tilespmem:s21+$0xFFFFFE00];
	(erf) = vpow2.f32 v2  }
0x96: {  	v9 =	vld [tilespmem:s21+$0xFFFFFE80];
	v15 =	vimm.f32 $0.0e+00;
	v23 =	vmul.f32 $1.442695020e+00, v14;
	(erf) = vpow2.f32 v20  }
0x97: {  	v4 =	vsub.f32 v17, v4;
	v24 =	vmul.f32 $1.442695020e+00, v22;
	(erf) = vpow2.f32 v21  }
0x98: {  	v7 =	vsub.f32 v18, v7;
	v20 =	vmul.f32 $1.442695020e+00, v19;
	(erf) = vpow2.f32 v10  }
0x99: {  	v14 =	vsub.f32 v14, v19;
	v21 =	vmul.f32 $1.442695020e+00, v16;
	(erf) = vpow2.f32 v23  }
0x9a: {  	v2 =	vsub.f32 v8, v5;
	v23 =	vmul.f32 $1.442695020e+00, v11;
	(erf) = vpow2.f32 v20  }
0x9b: {  	v19 =	vmul.f32 $1.442695020e+00, v17;
	v10 =	vsub.f32 v22, v9;
	(erf) = vpow2.f32 v21  }
0x9c: {  	v11 =	vsub.f32 v16, v11;
	v21 =	vmul.f32 $1.442695020e+00, v9;
	v9 =	vpop (erf);
	(erf) = vpow2.f32 v23  }
0x9d: {  	v16 =	vsub.f32 v13, v12;
	v20 =	vmul.f32 $1.442695020e+00, v18;
	v12 =	vpop (erf);
	(erf) = vpow2.f32 v24  }
0x9e: {  	s23 =	simm.s32 $0x0;
	s24 =	sadd.s32 $0x400, s21;
	s25 =	smov.u32 s22;
	v13 =	vimm.f32 $0.0e+00;
	v18 =	vimm.f32 $0.0e+00;
	v17 =	vpop (erf);
	(erf) = vpow2.f32 v21  }
.LBB2_7:
0x9f: {  	v21 =	vld [tilespmem:s24+$0xFFFFFF80];
	v23 =	vmul.f32 v16, v17;
	v6 =	vsub.f32 v6, v3;
	v22 =	vpop (erf);
	(erf) = vpow2.f32 v20  }
0xa0: {  	v15 =	vadd.f32 v17, v15;
	v8 =	vmul.f32 $1.442695020e+00, v8;
	v20 =	vld [tilespmem:s24+$0xFFFFFF00];
	v17 =	vpop (erf);
	(erf) = vpow2.f32 v19  }
0xa1: {  	v18 =	vadd.f32 v22, v18;
	v3 =	vld [tilespmem:s24+$0xFFFFFD00];
	v13 =	vadd.f32 v23, v13;
	v6 =	vmul.f32 v6, v17;
	v16 =	vpop (erf)  }
0xa2: {  	v15 =	vadd.f32 v17, v15;
	v17 =	vmul.f32 $1.442695020e+00, v5;
	v5 =	vld [tilespmem:s24+$0x0];
	v19 =	vpop (erf);
	(erf) = vpow2.f32 v8  }
0xa3: {  	s25 =	sadd.s32 $0x400, s25;
	v23 =	vadd.f32 v16, v18;
	v22 =	vld [tilespmem:s24+$0xFFFFFC80];
	v6 =	vadd.f32 v6, v13;
	v13 =	vmul.f32 v14, v19;
	v14 =	vpop (erf)  }
0xa4: {  	v15 =	vadd.f32 v19, v15;
	v18 =	vmul.f32 $1.442695020e+00, v21;
	v8 =	vld [tilespmem:s25+$0x0];
	v19 =	vpop (erf);
	(erf) = vpow2.f32 v17  }
0xa5: {  	v14 =	vadd.f32 v14, v23;
	v17 =	vld [tilespmem:s25+$0xFFFFFC80];
	v26 =	vadd.f32 v13, v6;
	v11 =	vmul.f32 v11, v19;
	v16 =	vpop (erf)  }
0xa6: {  	s23 =	sadd.s32 $0x8, s23;
	v24 =	vmul.f32 $1.442695020e+00, v20;
	v15 =	vadd.f32 v19, v15;
	v23 =	vmul.f32 $1.442695020e+00, v3;
	v25 =	vld [tilespmem:s25+$0xFFFFFF80];
	v19 =	vpop (erf)  }
0xa7: {  	p0 =	slt.u32 s23, $0x38;
	v14 =	vadd.f32 v16, v14;
	v6 =	vld [tilespmem:s25+$0xFFFFFD00];
	v27 =	vadd.f32 v11, v26;
	v10 =	vmul.f32 v10, v19;
	v13 =	vpop (erf)  }
0xa8: {  	v15 =	vadd.f32 v19, v15;
	v16 =	vmul.f32 $1.442695020e+00, v22;
	v26 =	vld [tilespmem:s24+$0xFFFFFE80];
	(erf) = vpow2.f32 v18;
	v18 =	vpop (erf)  }
0xa9: {  	v13 =	vadd.f32 v13, v14;
	v19 =	vld [tilespmem:s25+$0xFFFFFD80];
	v28 =	vadd.f32 v10, v27;
	v7 =	vmul.f32 v7, v18;
	v11 =	vpop (erf)  }
0xaa: {  	v15 =	vadd.f32 v18, v15;
	v14 =	vmul.f32 $1.442695020e+00, v17;
	v27 =	vld [tilespmem:s25+$0xFFFFFF00];
	(erf) = vpow2.f32 v24  }
0xab: {  	v12 =	vadd.f32 v12, v13;
	v4 =	vmul.f32 v4, v11;
	v24 =	vld [tilespmem:s24+$0xFFFFFD80];
	v18 =	vadd.f32 v7, v28;
	v10 =	vpop (erf)  }
0xac: {  	v11 =	vadd.f32 v11, v15;
	v13 =	vmul.f32 $1.442695020e+00, v6;
	v28 =	vld [tilespmem:s25+$0xFFFFFE00];
	(erf) = vpow2.f32 v14  }
0xad: {  	v9 =	vadd.f32 v9, v12;
	v2 =	vmul.f32 v2, v10;
	v14 =	vld [tilespmem:s24+$0xFFFFFE00];
	v4 =	vadd.f32 v4, v18;
	v7 =	vpop (erf)  }
0xae: {  	v15 =	vadd.f32 v10, v11;
	v12 =	vmul.f32 $1.442695020e+00, v19;
	v29 =	vld [tilespmem:s25+$0xFFFFFE80];
	(erf) = vpow2.f32 v16  }
0xaf: {  	v18 =	vadd.f32 v7, v9;
	(erf) = vpow2.f32 v13;
	v13 =	vadd.f32 v2, v4  }
0xb0: {  	v2 =	vsub.f32 v8, v5;
	v10 =	vmul.f32 $1.442695020e+00, v24;
	(erf) = vpow2.f32 v23  }
0xb1: {  	v4 =	vsub.f32 v25, v21;
	v11 =	vmul.f32 $1.442695020e+00, v28;
	(erf) = vpow2.f32 v12;
	v9 =	vpop (erf)  }
.Ltmp2:
0xb2: {  	v7 =	vsub.f32 v27, v20;
	v16 =	vmul.f32 $1.442695020e+00, v14;
	(erf) = vpow2.f32 v10;
	(pc) =	sbr.rel @p0 .LBB2_7-.Ltmp2, $4  }
0xb3: {  	v21 =	vmul.f32 $1.442695020e+00, v29;
	v10 =	vsub.f32 v29, v26;
	(erf) = vpow2.f32 v11;
	v12 =	vpop (erf)  }
0xb4: {  	v23 =	vmul.f32 $1.442695020e+00, v26;
	v11 =	vsub.f32 v28, v14;
	(erf) = vpow2.f32 v16  }
0xb5: {  	v20 =	vmul.f32 $1.442695020e+00, v27;
	v16 =	vsub.f32 v17, v22;
	v17 =	vpop (erf);
	(erf) = vpow2.f32 v21  }
0xb6: {  	s24 =	sadd.s32 $0x400, s24;
	v14 =	vsub.f32 v19, v24;
	v19 =	vmul.f32 $1.442695020e+00, v25;
	(erf) = vpow2.f32 v23  }
0xb7: {  	v21 =	vpop (erf);
	(erf) = vpow2.f32 v20;
	v15 =	vadd.f32 v17, v15  }
0xb8: {  	v8 =	vmul.f32 $1.442695020e+00, v8;
	v34 =	vpop (erf)  }
0xb9: {  	(erf) = vpow2.f32 v19;
	v18 =	vadd.f32 v21, v18;
	v35 =	vpop (erf);
	v15 =	vadd.f32 v34, v15  }
0xba: {  	v5 =	vmul.f32 $1.442695020e+00, v5;
	v36 =	vpop (erf)  }
0xbb: {  	(erf) = vpow2.f32 v8;
	v18 =	vadd.f32 v35, v18;
	v37 =	vpop (erf);
	v15 =	vadd.f32 v36, v15  }
0xbc: {  	v38 =	vpop (erf)  }
0xbd: {  	(erf) = vpow2.f32 v5;
	v39 =	vadd.f32 v37, v18;
	v22 =	vpop (erf);
	v15 =	vadd.f32 v38, v15  }
0xbe: {  	v40 =	vpop (erf)  }
0xbf: {  	v5 =	vadd.f32 v22, v39;
	v41 =	vpop (erf);
	v15 =	vadd.f32 v40, v15  }
0xc0: {  	v42 =	vpop (erf)  }
0xc1: {  	v5 =	vadd.f32 v41, v5;
	v15 =	vadd.f32 v42, v15  }
0xc2: {  	v43 =	vpop (erf)  }
0xc3: {  	v5 =	vadd.f32 v12, v5;
	v15 =	vadd.f32 v43, v15  }
0xc4: {  	v44 =	vpop (erf)  }
0xc5: {  	v5 =	vadd.f32 v9, v5;
	v15 =	vadd.f32 v44, v15  }
0xc6: {  	v45 =	vpop (erf)  }
0xc7: {  	v5 =	vadd.f32 v45, v5;
	v23 =	vand.u32 $0x7FFFFF, v15  }
0xc8: {  	v46 =	vor.u32 $0x3F800000, v23  }
0xc9: {  	v24 =	vand.u32 $0x7FFFFF, v5;
	v23 =	vmul.f32 $5.000000000e-01, v46  }
0xca: {  	vm1 =	vgt.f32 v46, $1.414213540e+00;
	v47 =	vor.u32 $0x3F800000, v24  }
0xcb: {  	v24 =	vmul.f32 $5.000000000e-01, v47;
	v9 =	vsel vm1, v23, v46  }
0xcc: {  	vm0 =	vgt.f32 v47, $1.414213540e+00;
	v9 =	vadd.f32 $-1.000000000e+00, v9  }
0xcd: {  	v23 =	vsel vm0, v24, v47  }
0xce: {  	v23 =	vadd.f32 $-1.000000000e+00, v23;
	v48 =	vmul.f32 $1.376644820e-01, v9  }
0xcf: {  	v16 =	vmul.f32 v16, v17;
	v3 =	vsub.f32 v6, v3  }
0xd0: {  	v50 =	vmul.f32 $1.376644820e-01, v23;
	v49 =	vsub.f32 $2.203906770e-01, v48  }
0xd1: {  	v13 =	vadd.f32 v16, v13;
	v3 =	vmul.f32 v3, v34  }
0xd2: {  	v51 =	vsub.f32 $2.203906770e-01, v50;
	v6 =	vmul.f32 v49, v9  }
0xd3: {  	v3 =	vadd.f32 v3, v13;
	v52 =	vmul.f32 v14, v36  }
0xd4: {  	v53 =	vmul.f32 v51, v23;
	v6 =	vadd.f32 $-2.552298310e-01, v6  }
0xd5: {  	v3 =	vadd.f32 v52, v3;
	v11 =	vmul.f32 v11, v38  }
0xd6: {  	v54 =	vadd.f32 $-2.552298310e-01, v53;
	v6 =	vmul.f32 v6, v9  }
0xd7: {  	v3 =	vadd.f32 v11, v3;
	v8 =	vmul.f32 v10, v40  }
0xd8: {  	v55 =	vmul.f32 v54, v23;
	v6 =	vadd.f32 $3.325308560e-01, v6  }
0xd9: {  	v7 =	vmul.f32 v7, v42;
	v3 =	vadd.f32 v8, v3;
	(erf) = vrcp.f32 v15  }
0xda: {  	v56 =	vadd.f32 $3.325308560e-01, v55;
	v6 =	vmul.f32 v6, v9  }
0xdb: {  	v4 =	vmul.f32 v4, v43;
	v3 =	vadd.f32 v7, v3;
	v2 =	vmul.f32 v2, v44  }
0xdc: {  	v58 =	vshrl.u32 v15, $0x17;
	v8 =	vmul.f32 v56, v23;
	v6 =	vadd.f32 $-4.998234810e-01, v6  }
0xdd: {  	v3 =	vadd.f32 v4, v3;
	v4 =	vand.u32 $0xFF, v58;
	v5 =	vshrl.u32 v5, $0x17  }
0xde: {  	v4 =	vadd.s32 $0xFFFFFF81, v4;
	v8 =	vadd.f32 $-4.998234810e-01, v8;
	v6 =	vmul.f32 v6, v9  }
0xdf: {  	v2 =	vadd.f32 v2, v3;
	v5 =	vand.u32 $0xFF, v5;
	v4 =	vcvt.s32.f32 v4  }
0xe0: {  	v5 =	vadd.s32 $0xFFFFFF81, v5;
	v8 =	vmul.f32 v8, v23;
	v6 =	vadd.f32 $1.000008340e+00, v6  }
0xe1: {  	v57 =	vsel vm1, $0x3F800000, v0;
	v5 =	vcvt.s32.f32 v5;
	v61 =	vsel vm0, $0x3F800000, v0  }
0xe2: {  	v4 =	vadd.f32 v4, v57;
	v59 =	vpop (erf);
	v60 =	vadd.f32 $1.000008340e+00, v8;
	v3 =	vmul.f32 v6, v9  }
0xe3: {  	v5 =	vadd.f32 v5, v61;
	v2 =	vmul.f32 v2, v59  }
0xe4: {  	s20 =	sadd.s32 $0x1, s20;
	v4 =	vmul.f32 $6.931471820e-01, v4;
	v62 =	vmul.f32 v60, v23;
	v3 =	vadd.f32 $-7.989150960e-07, v3  }
0xe5: {  	p0 =	sne.s32 s20, $0x8;
	v1 =	vadd.f32 v2, v1  }
.Ltmp3:
0xe6: {  	v63 =	vmul.f32 $6.931471820e-01, v5;
	v2 =	vadd.f32 v3, v4;
	v3 =	vadd.f32 $-7.989150960e-07, v62;
	(pc) =	sbr.rel @p0 .LBB2_6-.Ltmp3, $3  }
0xe7: {  	_ = 	snop  }
0xe8: {  	v1 =	vsub.f32 v1, v2;
	v2 =	vadd.f32 v3, v63;
	_ =	sdelay $0x1  }
0xe9: {  	s21 =	sadd.s32 $0x10, s21;
	s22 =	sadd.s32 $0x10, s22;
	v1 =	vadd.f32 v2, v1  }
0xea: {  	s19 =	sadd.s32 $0x1, s19  }
0xeb: {  	p0 =	sne.s32 s19, s8  }
.Ltmp4:
0xec: {  	[tilespmem:$0x8000] =	vst v1;
	(pc) =	sbr.rel @p0 .LBB2_1-.Ltmp4, $4  }
0xed: {  	[hbm4b:s7+s2] =	stream.linear.scatter [tilespmem:s10], [sflag:$0x5], $0x80, $0x38;
	[tilespmem:$0x8080] =	vst v63  }
0xee: {  	_ =	swait.ge [sflag:s18], $0x80  }
0xef: {  	[sflag:s18] =	ssyncset.done $0x0  }
0xf0: {  	[sflag:s18] =	ssyncadd.s32 $0xFFFFFF80  }
0xf1: {  	_ =	sfence.sel $0x180000  }
0xf2: {  	[bflag:$0x0] =	sbarrier.arrive $0xFFFF  }
0xf3: {  	p0 =	sne.s32 s0, $0x0;
	_ =	strace $0x90000047  }
0xf4: {  	s0 =	sadd.s32 @!p0 $0x100000, s1;
	[bflag:$0x2] =	sbarrier.arrive $0xFFFF  }
0xf5: {  	[sflag:s0] =	ssyncadd.tile.s32 @!p0 $0x1;
	_ =	shalt  }
.Lfunc_end2:
_tile_overlayer_lowered:
.L_overlay_start_2:
0xf6: {  	(tag) =	ssettag $0x2  }
0xf7: {  	s0 =	rddreg [dreg:$0x0];
	s2 =	stileid.u32  }
0xf8: {  	s1 =	rddreg [dreg:$0x1];
	p0 =	sne.s32 s2, $0x0  }
0xf9: {  	s3 =	rddreg [dreg:$0x2];
	[bflag:$0x3] =	sbarrier.arrive $0xFFFF;
	s2 =	simm.s32 @!p0 $0x1C05  }
0xfa: {  	[timem:s3], [sflag:s2] =	dma.local @!p0 [hbm:s0], s1  }
0xfb: {  	s0 =	simm.s32 @!p0 $0x5  }
0xfc: {  	_ =	swait.ge @!p0 [sflag:s0], s1  }
0xfd: {  	s1 =	ssub.s32 @!p0 $0x0, s1;
	[sflag:s0] =	ssyncset.done @!p0 $0x0  }
0xfe: {  	[sflag:s0] =	ssyncadd.s32 @!p0 s1  }
0xff: {  	[bflag:$0x3] =	sbarrier.arrive $0xFFFF  }
0x100: {  	_ =	shalt  }

</sc_bundles>
